<compile_context>
chip_gen: v7x
topology: tpu7x:2x2x1
jax: 0.10.2.dev20260603
libtpu: 0.0.44.dev20260713+nightly
codegen_flags: <defaults>
</compile_context>

<pallas_src>
import functools

import jax
import jax.numpy as jnp
from jax import lax
from jax.experimental import pallas as pl
from jax.experimental.pallas import tpu as pltpu
from jax.experimental.pallas import tpu_sc as plsc

_N = 10000
_D = 128
_H = 64
_E = 320000

_NC = 2
_NS = 16
_NW = _NC * _NS
_CW = 512
_NCHT = _E // _CW
_CPW = 20
_NCHP = _NW * _CPW
_STG = 24
_A31 = 616
_NDUMP = 8
_NIT = 10
_RPT = _N // _NIT


def _sc_aggregate(y, e2, pad2):
    mesh = plsc.VectorSubcoreMesh(
        core_axis_name="c", subcore_axis_name="s", num_cores=_NC, num_subcores=_NS
    )
    nacc = _N + _NDUMP

    @functools.partial(
        pl.kernel,
        mesh=mesh,
        out_type=jax.ShapeDtypeStruct((_NC, _N, _H), jnp.float32),
        scratch_types=[
            pltpu.VMEM((_STG, _CW), jnp.int32),
            pltpu.VMEM((_STG, _CW), jnp.int32),
            pltpu.VMEM((2, _CW, _H), jnp.float32),
            pltpu.VMEM_SHARED((nacc, _H), jnp.float32),
            pltpu.SemaphoreType.DMA,
            pltpu.SemaphoreType.DMA,
            pltpu.SemaphoreType.DMA,
            pltpu.SemaphoreType.DMA,
        ],
        compiler_params=pltpu.CompilerParams(use_tc_tiling_on_sc=False),
    )
    def agg(y_hbm, e_hbm, pad_hbm, out_hbm, src_v, dst_v, rows_v, acc, g0, g1, s0, s1):
        c = lax.axis_index("c")
        s = lax.axis_index("s")
        w = s * _NC + c
        r0 = s * _RPT

        base = w * _CPW
        a0 = base - lax.rem(base, 8)
        off = base - a0

        @pl.when(w < _NW - 1)
        def _():
            pltpu.sync_copy(e_hbm.at[0, pl.ds(a0, _STG)], src_v)
            pltpu.sync_copy(e_hbm.at[1, pl.ds(a0, _STG)], dst_v)

        @pl.when(w == _NW - 1)
        def _():
            nreal = _NCHT - _A31
            npadc = _NCHP - _NCHT
            pltpu.sync_copy(e_hbm.at[0, pl.ds(_A31, nreal)], src_v.at[pl.ds(0, nreal)])
            pltpu.sync_copy(e_hbm.at[1, pl.ds(_A31, nreal)], dst_v.at[pl.ds(0, nreal)])
            pltpu.sync_copy(pad_hbm.at[0], src_v.at[pl.ds(nreal, npadc)])
            pltpu.sync_copy(pad_hbm.at[1], dst_v.at[pl.ds(nreal, npadc)])

        @pl.when(s < _NIT)
        def _():
            pltpu.sync_copy(y_hbm.at[pl.ds(r0, _RPT)], acc.at[pl.ds(r0, _RPT)])

        plsc.subcore_barrier()

        def g_start(j, slot, sem):
            return pltpu.async_copy(y_hbm.at[src_v.at[off + j]], rows_v.at[slot], sem)

        def g_wait(j, slot, sem):
            pltpu.make_async_copy(y_hbm.at[src_v.at[off + j]], rows_v.at[slot], sem).wait()

        def s_start(j, slot, sem):
            return pltpu.async_copy(rows_v.at[slot], acc.at[dst_v.at[off + j]], sem, add=True)

        def s_wait(j, slot, sem):
            pltpu.make_async_copy(rows_v.at[slot], acc.at[dst_v.at[off + j]], sem).wait()

        g_start(0, 0, g0)

        def body(g, carry):
            j0 = 2 * g
            j1 = j0 + 1

            @pl.when(g > 0)
            def _():
                s_wait(j1 - 2, 1, s1)

            g_start(j1, 1, g1)
            g_wait(j0, 0, g0)
            s_start(j0, 0, s0)
            s_wait(j0, 0, s0)

            @pl.when(g < _CPW // 2 - 1)
            def _():
                g_start(j0 + 2, 0, g0)

            g_wait(j1, 1, g1)
            s_start(j1, 1, s1)
            return carry

        lax.fori_loop(0, _CPW // 2, body, 0)
        s_wait(_CPW - 1, 1, s1)

        plsc.subcore_barrier()

        @pl.when(s < _NIT)
        def _():
            pltpu.sync_copy(acc.at[pl.ds(r0, _RPT)], out_hbm.at[c, pl.ds(r0, _RPT)])

    return agg(y, e2, pad2)


def _edge_repack(edge_index):
    def body(e_ref, o_ref):
        e = e_ref[...]
        phi = e * 2 - jnp.where(e >= _N // 2, _N - 1, 0).astype(jnp.int32)
        o_ref[...] = phi.reshape(2, _NCHT, _CW)

    return pl.pallas_call(
        body,
        out_shape=jax.ShapeDtypeStruct((2, _NCHT, _CW), jnp.int32),
    )(edge_index)


def _bdiag(w):
    a, b = w.shape
    z = jnp.zeros((a, b), w.dtype)
    return jnp.concatenate(
        [jnp.concatenate([w, z], axis=1), jnp.concatenate([z, w], axis=1)], axis=0
    )


def _mm_a(x, w1):
    def body(x_ref, w_ref, o_ref):
        ya = jnp.dot(x_ref[: _N // 2], w_ref[...], preferred_element_type=jnp.float32)
        yb = jnp.dot(x_ref[_N // 2 :], w_ref[...], preferred_element_type=jnp.float32)
        o_ref[...] = jnp.concatenate([ya, yb], axis=1)

    return pl.pallas_call(
        body,
        out_shape=jax.ShapeDtypeStruct((_N // 2, 2 * _H), jnp.float32),
    )(x, w1)


def _mlp_b(p2, y2, b1x, w2x, b2x, w3x):
    def body(p_ref, y_ref, b1_ref, w2_ref, b2_ref, w3_ref, o_ref):
        h = jnp.maximum(p_ref[0] + p_ref[1] - y_ref[...] + b1_ref[...], 0.0)
        h = jnp.maximum(
            jnp.dot(h, w2_ref[...], preferred_element_type=jnp.float32) + b2_ref[...], 0.0
        )
        o_ref[...] = jnp.dot(h, w3_ref[...], preferred_element_type=jnp.float32)

    return pl.pallas_call(
        body,
        out_shape=jax.ShapeDtypeStruct((_N // 2, 2 * _H), jnp.float32),
    )(p2, y2, b1x, w2x, b2x, w3x)


def _mlp_c(q2, z2, b3x, w4, b4r):
    def body(q_ref, z_ref, b3_ref, w4_ref, b4_ref, o_ref):
        h = jnp.maximum(q_ref[0] + q_ref[1] - z_ref[...] + b3_ref[...], 0.0)
        o_ref[: _N // 2] = (
            jnp.dot(h[:, : _H], w4_ref[...], preferred_element_type=jnp.float32)
            + b4_ref[...]
        )
        o_ref[_N // 2 :] = (
            jnp.dot(h[:, _H :], w4_ref[...], preferred_element_type=jnp.float32)
            + b4_ref[...]
        )

    return pl.pallas_call(
        body,
        out_shape=jax.ShapeDtypeStruct((_N, _D), jnp.float32),
    )(q2, z2, b3x, w4, b4r)


def kernel(x, edge_index, W1, b1, W2, b2, W3, b3, W4, b4):
    lane = jnp.arange(_CW, dtype=jnp.int32)
    npad = _NCHP - _NCHT
    e2 = _edge_repack(edge_index)
    pad2 = jnp.stack(
        [
            jnp.broadcast_to(lane * 16, (npad, _CW)),
            jnp.broadcast_to(_N + (lane & 7), (npad, _CW)),
        ]
    )

    b1x = jnp.concatenate([b1, b1]).reshape(1, 2 * _H)
    b2x = jnp.concatenate([b2, b2]).reshape(1, 2 * _H)
    b3x = jnp.concatenate([b3, b3]).reshape(1, 2 * _H)
    w2x = _bdiag(W2)
    w3x = _bdiag(W3)

    y2 = _mm_a(x, W1)
    p = _sc_aggregate(y2.reshape(_N, _H), e2, pad2)
    z2 = _mlp_b(p.reshape(_NC, _N // 2, 2 * _H), y2, b1x, w2x, b2x, w3x)
    q = _sc_aggregate(z2.reshape(_N, _H), e2, pad2)
    return _mlp_c(q.reshape(_NC, _N // 2, 2 * _H), z2, b3x, W4, b4.reshape(1, _D))

# --- scband reference (transcript-rebuilt; emitter-appended) ---
"""Pipeline reference for scband-ginmodel-75634374083203 (READ-ONLY COPY).

The authoritative reference and input builder live on the scoring server;
editing this copy changes nothing except your own understanding.
"""

import jax, jax.numpy as jnp
import numpy as np

N = 10000
E = 320000
D = 128
H = 64


def setup_inputs(seed: int = 0) -> dict:
    key = jax.random.key(seed)
    ks = jax.random.split(key, 10)
    x = jax.random.normal(ks[0], (N, D), dtype=jnp.float32)
    edge_index = jax.random.randint(ks[1], (2, E), 0, N, dtype=jnp.int32)
    # GINConv1 MLP: Linear(D,H), ReLU, Linear(H,H), ReLU
    W1 = jax.random.normal(ks[2], (D, H), dtype=jnp.float32) / np.sqrt(D)
    b1 = jnp.zeros((H,), dtype=jnp.float32)
    W2 = jax.random.normal(ks[3], (H, H), dtype=jnp.float32) / np.sqrt(H)
    b2 = jnp.zeros((H,), dtype=jnp.float32)
    # GINConv2 MLP: Linear(H,H), ReLU, Linear(H,D)
    W3 = jax.random.normal(ks[4], (H, H), dtype=jnp.float32) / np.sqrt(H)
    b3 = jnp.zeros((H,), dtype=jnp.float32)
    W4 = jax.random.normal(ks[5], (H, D), dtype=jnp.float32) / np.sqrt(H)
    b4 = jnp.zeros((D,), dtype=jnp.float32)
    return {"x": x, "edge_index": edge_index, "W1": W1, "b1": b1, "W2": W2, "b2": b2, "W3": W3, "b3": b3, "W4": W4, "b4": b4}


def _gin_aggregate(x, edge_index):
    # PyG GINConv with eps=0: out_i = mlp(x_i + sum_{j in N(i)} x_j)
    src = edge_index[0]
    dst = edge_index[1]
    msgs = jnp.take(x, src, axis=0)           # gather (SparseCore)
    agg = jax.ops.segment_sum(msgs, dst, num_segments=N)  # scatter-add
    return x + agg


def reference(x, edge_index, W1, b1, W2, b2, W3, b3, W4, b4):
    # conv1: GINConv(Seq(Linear(D,H), ReLU, Linear(H,H), ReLU))
    h = _gin_aggregate(x, edge_index)
    h = jax.nn.relu(h @ W1 + b1)
    h = jax.nn.relu(h @ W2 + b2)
    # conv2: GINConv(Seq(Linear(H,H), ReLU, Linear(H,D)))
    h = _gin_aggregate(h, edge_index)
    h = jax.nn.relu(h @ W3 + b3)
    h = h @ W4 + b4
    return h

if __name__ == "__main__":
    import jax
    _d = setup_inputs()
    print(jax.jit(kernel)(*tuple(_d.values())))

</pallas_src>

<mosaic_0001>
#map = affine_map<(d0, d1) -> (0, 0)>
#map1 = affine_map<(d0, d1) -> (0, 0, 0)>
module attributes {stable_mosaic.version = 14 : i64} {
  func.func @agg(%arg0: i32, %arg1: i32, %arg2: memref<10000x64xf32, #tpu.memory_space<hbm>>, %arg3: memref<2x625x512xi32, #tpu.memory_space<hbm>>, %arg4: memref<2x15x512xi32, #tpu.memory_space<hbm>>, %arg5: memref<2x10000x64xf32, #tpu.memory_space<hbm>>, %arg6: memref<24x512xi32, #tpu.memory_space<vmem>>, %arg7: memref<24x512xi32, #tpu.memory_space<vmem>>, %arg8: memref<2x512x64xf32, #tpu.memory_space<vmem>>, %arg9: memref<10008x64xf32, #tpu.memory_space<vmem_shared>>, %arg10: memref<!tpu.dma_semaphore, #tpu.memory_space<semaphore_mem>>, %arg11: memref<!tpu.dma_semaphore, #tpu.memory_space<semaphore_mem>>, %arg12: memref<!tpu.dma_semaphore, #tpu.memory_space<semaphore_mem>>, %arg13: memref<!tpu.dma_semaphore, #tpu.memory_space<semaphore_mem>>) attributes {dimension_semantics = [#tpu.dimension_semantics<core_parallel>, #tpu.dimension_semantics<subcore_parallel>], iteration_bounds = array<i64: 2, 16>, scalar_prefetch = 0 : i64, scratch_operands = 8 : i64, tpu.core_type = #tpu.core_type<sc_vector_subcore>, window_params = [{transform_indices = #map}, {transform_indices = #map1}, {transform_indices = #map1}, {transform_indices = #map1}]} {
    %mul3A = arith.constant 2 : i32
    %mul3A_0 = arith.muli %arg1, %mul3A : i32
    %add3A = arith.addi %mul3A_0, %arg0 : i32
    %mul3A_1 = arith.constant 1000 : i32
    %mul3A_2 = arith.muli %arg1, %mul3A_1 : i32
    %mul3A_3 = arith.constant 20 : i32
    %mul3A_4 = arith.muli %add3A, %mul3A_3 : i32
    %rem3A = arith.constant 8 : i32
    %rem3A_5 = arith.remsi %mul3A_4, %rem3A : i32
    %sub3A = arith.subi %mul3A_4, %rem3A_5 : i32
    %sub3A_6 = arith.subi %mul3A_4, %sub3A : i32
    %lt3A = arith.constant 31 : i32
    %lt3A_7 = arith.cmpi slt, %add3A, %lt3A : i32
    %convert_element_type3A = arith.extui %lt3A_7 : i1 to i32
    %cond3A = arith.constant 0 : i32
    %cond3A_8 = arith.cmpi ne, %convert_element_type3A, %cond3A : i32
    scf.if %cond3A_8 {
      %run_scoped3A = arith.constant 0 : i32
      "tpu.region"() ({
        %run_scoped3A_54 = tpu.sem_alloc : memref<!tpu.dma_semaphore, #tpu.memory_space<semaphore_mem>>
        %dma_start3A_55 = arith.constant 0 : i32
        %dma_start3A_56 = tpu.memref_slice %arg3[%run_scoped3A, %sub3A, %dma_start3A_55] : memref<2x625x512xi32, #tpu.memory_space<hbm>> -> memref<1x24x512xi32, #tpu.memory_space<hbm>>
        %dma_start3A_57 = tpu.memref_squeeze %dma_start3A_56 : memref<1x24x512xi32, #tpu.memory_space<hbm>> -> memref<24x512xi32, #tpu.memory_space<hbm>>
        %dma_start3A_58 = arith.constant 0 : i32
        %dma_start3A_59 = tpu.memref_slice %arg3[%run_scoped3A, %sub3A, %dma_start3A_58] : memref<2x625x512xi32, #tpu.memory_space<hbm>> -> memref<1x24x512xi32, #tpu.memory_space<hbm>>
        %dma_start3A_60 = tpu.memref_squeeze %dma_start3A_59 : memref<1x24x512xi32, #tpu.memory_space<hbm>> -> memref<24x512xi32, #tpu.memory_space<hbm>>
        tpu.enqueue_dma source(%dma_start3A_60 : memref<24x512xi32, #tpu.memory_space<hbm>>) target(%arg6 : memref<24x512xi32, #tpu.memory_space<vmem>>) target_semaphore(%run_scoped3A_54 : memref<!tpu.dma_semaphore, #tpu.memory_space<semaphore_mem>>)
        %dma_wait3A_61 = arith.constant 0 : i32
        %dma_wait3A_62 = tpu.memref_slice %arg3[%run_scoped3A, %sub3A, %dma_wait3A_61] : memref<2x625x512xi32, #tpu.memory_space<hbm>> -> memref<1x24x512xi32, #tpu.memory_space<hbm>>
        %dma_wait3A_63 = tpu.memref_squeeze %dma_wait3A_62 : memref<1x24x512xi32, #tpu.memory_space<hbm>> -> memref<24x512xi32, #tpu.memory_space<hbm>>
        %dma_wait3A_64 = arith.constant 0 : i32
        %dma_wait3A_65 = tpu.memref_slice %arg3[%run_scoped3A, %sub3A, %dma_wait3A_64] : memref<2x625x512xi32, #tpu.memory_space<hbm>> -> memref<1x24x512xi32, #tpu.memory_space<hbm>>
        %dma_wait3A_66 = tpu.memref_squeeze %dma_wait3A_65 : memref<1x24x512xi32, #tpu.memory_space<hbm>> -> memref<24x512xi32, #tpu.memory_space<hbm>>
        tpu.wait_dma2 semaphore(%run_scoped3A_54 : memref<!tpu.dma_semaphore, #tpu.memory_space<semaphore_mem>>) src(%dma_wait3A_66 : memref<24x512xi32, #tpu.memory_space<hbm>>) dst(%arg6 : memref<24x512xi32, #tpu.memory_space<vmem>>)
        tpu.yield
      }) : () -> ()
      %run_scoped3A_53 = arith.constant 1 : i32
      "tpu.region"() ({
        %run_scoped3A_54 = tpu.sem_alloc : memref<!tpu.dma_semaphore, #tpu.memory_space<semaphore_mem>>
        %dma_start3A_55 = arith.constant 0 : i32
        %dma_start3A_56 = tpu.memref_slice %arg3[%run_scoped3A_53, %sub3A, %dma_start3A_55] : memref<2x625x512xi32, #tpu.memory_space<hbm>> -> memref<1x24x512xi32, #tpu.memory_space<hbm>>
        %dma_start3A_57 = tpu.memref_squeeze %dma_start3A_56 : memref<1x24x512xi32, #tpu.memory_space<hbm>> -> memref<24x512xi32, #tpu.memory_space<hbm>>
        %dma_start3A_58 = arith.constant 0 : i32
        %dma_start3A_59 = tpu.memref_slice %arg3[%run_scoped3A_53, %sub3A, %dma_start3A_58] : memref<2x625x512xi32, #tpu.memory_space<hbm>> -> memref<1x24x512xi32, #tpu.memory_space<hbm>>
        %dma_start3A_60 = tpu.memref_squeeze %dma_start3A_59 : memref<1x24x512xi32, #tpu.memory_space<hbm>> -> memref<24x512xi32, #tpu.memory_space<hbm>>
        tpu.enqueue_dma source(%dma_start3A_60 : memref<24x512xi32, #tpu.memory_space<hbm>>) target(%arg7 : memref<24x512xi32, #tpu.memory_space<vmem>>) target_semaphore(%run_scoped3A_54 : memref<!tpu.dma_semaphore, #tpu.memory_space<semaphore_mem>>)
        %dma_wait3A_61 = arith.constant 0 : i32
        %dma_wait3A_62 = tpu.memref_slice %arg3[%run_scoped3A_53, %sub3A, %dma_wait3A_61] : memref<2x625x512xi32, #tpu.memory_space<hbm>> -> memref<1x24x512xi32, #tpu.memory_space<hbm>>
        %dma_wait3A_63 = tpu.memref_squeeze %dma_wait3A_62 : memref<1x24x512xi32, #tpu.memory_space<hbm>> -> memref<24x512xi32, #tpu.memory_space<hbm>>
        %dma_wait3A_64 = arith.constant 0 : i32
        %dma_wait3A_65 = tpu.memref_slice %arg3[%run_scoped3A_53, %sub3A, %dma_wait3A_64] : memref<2x625x512xi32, #tpu.memory_space<hbm>> -> memref<1x24x512xi32, #tpu.memory_space<hbm>>
        %dma_wait3A_66 = tpu.memref_squeeze %dma_wait3A_65 : memref<1x24x512xi32, #tpu.memory_space<hbm>> -> memref<24x512xi32, #tpu.memory_space<hbm>>
        tpu.wait_dma2 semaphore(%run_scoped3A_54 : memref<!tpu.dma_semaphore, #tpu.memory_space<semaphore_mem>>) src(%dma_wait3A_66 : memref<24x512xi32, #tpu.memory_space<hbm>>) dst(%arg7 : memref<24x512xi32, #tpu.memory_space<vmem>>)
        tpu.yield
      }) : () -> ()
    } else {
    }
    %eq3A = arith.constant 31 : i32
    %eq3A_9 = arith.cmpi eq, %add3A, %eq3A : i32
    %convert_element_type3A_10 = arith.extui %eq3A_9 : i1 to i32
    %cond3A_11 = arith.constant 0 : i32
    %cond3A_12 = arith.cmpi ne, %convert_element_type3A_10, %cond3A_11 : i32
    scf.if %cond3A_12 {
      %run_scoped3A = arith.constant 0 : i32
      "tpu.region"() ({
        %run_scoped3A_56 = tpu.sem_alloc : memref<!tpu.dma_semaphore, #tpu.memory_space<semaphore_mem>>
        %dma_start3A_57 = arith.constant 0 : i32
        %dma_start3A_58 = arith.constant 0 : i32
        %dma_start3A_59 = tpu.memref_slice %arg6[%dma_start3A_57, %dma_start3A_58] : memref<24x512xi32, #tpu.memory_space<vmem>> -> memref<9x512xi32, #tpu.memory_space<vmem>>
        %dma_start3A_60 = arith.constant 616 : i32
        %dma_start3A_61 = arith.constant 0 : i32
        %dma_start3A_62 = tpu.memref_slice %arg3[%run_scoped3A, %dma_start3A_60, %dma_start3A_61] : memref<2x625x512xi32, #tpu.memory_space<hbm>> -> memref<1x9x512xi32, #tpu.memory_space<hbm>>
        %dma_start3A_63 = tpu.memref_squeeze %dma_start3A_62 : memref<1x9x512xi32, #tpu.memory_space<hbm>> -> memref<9x512xi32, #tpu.memory_space<hbm>>
        %dma_start3A_64 = arith.constant 0 : i32
        %dma_start3A_65 = arith.constant 0 : i32
        %dma_start3A_66 = tpu.memref_slice %arg6[%dma_start3A_64, %dma_start3A_65] : memref<24x512xi32, #tpu.memory_space<vmem>> -> memref<9x512xi32, #tpu.memory_space<vmem>>
        %dma_start3A_67 = arith.constant 616 : i32
        %dma_start3A_68 = arith.constant 0 : i32
        %dma_start3A_69 = tpu.memref_slice %arg3[%run_scoped3A, %dma_start3A_67, %dma_start3A_68] : memref<2x625x512xi32, #tpu.memory_space<hbm>> -> memref<1x9x512xi32, #tpu.memory_space<hbm>>
        %dma_start3A_70 = tpu.memref_squeeze %dma_start3A_69 : memref<1x9x512xi32, #tpu.memory_space<hbm>> -> memref<9x512xi32, #tpu.memory_space<hbm>>
        tpu.enqueue_dma source(%dma_start3A_70 : memref<9x512xi32, #tpu.memory_space<hbm>>) target(%dma_start3A_66 : memref<9x512xi32, #tpu.memory_space<vmem>>) target_semaphore(%run_scoped3A_56 : memref<!tpu.dma_semaphore, #tpu.memory_space<semaphore_mem>>)
        %dma_wait3A_71 = arith.constant 0 : i32
        %dma_wait3A_72 = arith.constant 0 : i32
        %dma_wait3A_73 = tpu.memref_slice %arg6[%dma_wait3A_71, %dma_wait3A_72] : memref<24x512xi32, #tpu.memory_space<vmem>> -> memref<9x512xi32, #tpu.memory_space<vmem>>
        %dma_wait3A_74 = arith.constant 616 : i32
        %dma_wait3A_75 = arith.constant 0 : i32
        %dma_wait3A_76 = tpu.memref_slice %arg3[%run_scoped3A, %dma_wait3A_74, %dma_wait3A_75] : memref<2x625x512xi32, #tpu.memory_space<hbm>> -> memref<1x9x512xi32, #tpu.memory_space<hbm>>
        %dma_wait3A_77 = tpu.memref_squeeze %dma_wait3A_76 : memref<1x9x512xi32, #tpu.memory_space<hbm>> -> memref<9x512xi32, #tpu.memory_space<hbm>>
        %dma_wait3A_78 = arith.constant 0 : i32
        %dma_wait3A_79 = arith.constant 0 : i32
        %dma_wait3A_80 = tpu.memref_slice %arg6[%dma_wait3A_78, %dma_wait3A_79] : memref<24x512xi32, #tpu.memory_space<vmem>> -> memref<9x512xi32, #tpu.memory_space<vmem>>
        %dma_wait3A_81 = arith.constant 616 : i32
        %dma_wait3A_82 = arith.constant 0 : i32
        %dma_wait3A_83 = tpu.memref_slice %arg3[%run_scoped3A, %dma_wait3A_81, %dma_wait3A_82] : memref<2x625x512xi32, #tpu.memory_space<hbm>> -> memref<1x9x512xi32, #tpu.memory_space<hbm>>
        %dma_wait3A_84 = tpu.memref_squeeze %dma_wait3A_83 : memref<1x9x512xi32, #tpu.memory_space<hbm>> -> memref<9x512xi32, #tpu.memory_space<hbm>>
        tpu.wait_dma2 semaphore(%run_scoped3A_56 : memref<!tpu.dma_semaphore, #tpu.memory_space<semaphore_mem>>) src(%dma_wait3A_84 : memref<9x512xi32, #tpu.memory_space<hbm>>) dst(%dma_wait3A_80 : memref<9x512xi32, #tpu.memory_space<vmem>>)
        tpu.yield
      }) : () -> ()
      %run_scoped3A_53 = arith.constant 1 : i32
      "tpu.region"() ({
        %run_scoped3A_56 = tpu.sem_alloc : memref<!tpu.dma_semaphore, #tpu.memory_space<semaphore_mem>>
        %dma_start3A_57 = arith.constant 0 : i32
        %dma_start3A_58 = arith.constant 0 : i32
        %dma_start3A_59 = tpu.memref_slice %arg7[%dma_start3A_57, %dma_start3A_58] : memref<24x512xi32, #tpu.memory_space<vmem>> -> memref<9x512xi32, #tpu.memory_space<vmem>>
        %dma_start3A_60 = arith.constant 616 : i32
        %dma_start3A_61 = arith.constant 0 : i32
        %dma_start3A_62 = tpu.memref_slice %arg3[%run_scoped3A_53, %dma_start3A_60, %dma_start3A_61] : memref<2x625x512xi32, #tpu.memory_space<hbm>> -> memref<1x9x512xi32, #tpu.memory_space<hbm>>
        %dma_start3A_63 = tpu.memref_squeeze %dma_start3A_62 : memref<1x9x512xi32, #tpu.memory_space<hbm>> -> memref<9x512xi32, #tpu.memory_space<hbm>>
        %dma_start3A_64 = arith.constant 0 : i32
        %dma_start3A_65 = arith.constant 0 : i32
        %dma_start3A_66 = tpu.memref_slice %arg7[%dma_start3A_64, %dma_start3A_65] : memref<24x512xi32, #tpu.memory_space<vmem>> -> memref<9x512xi32, #tpu.memory_space<vmem>>
        %dma_start3A_67 = arith.constant 616 : i32
        %dma_start3A_68 = arith.constant 0 : i32
        %dma_start3A_69 = tpu.memref_slice %arg3[%run_scoped3A_53, %dma_start3A_67, %dma_start3A_68] : memref<2x625x512xi32, #tpu.memory_space<hbm>> -> memref<1x9x512xi32, #tpu.memory_space<hbm>>
        %dma_start3A_70 = tpu.memref_squeeze %dma_start3A_69 : memref<1x9x512xi32, #tpu.memory_space<hbm>> -> memref<9x512xi32, #tpu.memory_space<hbm>>
        tpu.enqueue_dma source(%dma_start3A_70 : memref<9x512xi32, #tpu.memory_space<hbm>>) target(%dma_start3A_66 : memref<9x512xi32, #tpu.memory_space<vmem>>) target_semaphore(%run_scoped3A_56 : memref<!tpu.dma_semaphore, #tpu.memory_space<semaphore_mem>>)
        %dma_wait3A_71 = arith.constant 0 : i32
        %dma_wait3A_72 = arith.constant 0 : i32
        %dma_wait3A_73 = tpu.memref_slice %arg7[%dma_wait3A_71, %dma_wait3A_72] : memref<24x512xi32, #tpu.memory_space<vmem>> -> memref<9x512xi32, #tpu.memory_space<vmem>>
        %dma_wait3A_74 = arith.constant 616 : i32
        %dma_wait3A_75 = arith.constant 0 : i32
        %dma_wait3A_76 = tpu.memref_slice %arg3[%run_scoped3A_53, %dma_wait3A_74, %dma_wait3A_75] : memref<2x625x512xi32, #tpu.memory_space<hbm>> -> memref<1x9x512xi32, #tpu.memory_space<hbm>>
        %dma_wait3A_77 = tpu.memref_squeeze %dma_wait3A_76 : memref<1x9x512xi32, #tpu.memory_space<hbm>> -> memref<9x512xi32, #tpu.memory_space<hbm>>
        %dma_wait3A_78 = arith.constant 0 : i32
        %dma_wait3A_79 = arith.constant 0 : i32
        %dma_wait3A_80 = tpu.memref_slice %arg7[%dma_wait3A_78, %dma_wait3A_79] : memref<24x512xi32, #tpu.memory_space<vmem>> -> memref<9x512xi32, #tpu.memory_space<vmem>>
        %dma_wait3A_81 = arith.constant 616 : i32
        %dma_wait3A_82 = arith.constant 0 : i32
        %dma_wait3A_83 = tpu.memref_slice %arg3[%run_scoped3A_53, %dma_wait3A_81, %dma_wait3A_82] : memref<2x625x512xi32, #tpu.memory_space<hbm>> -> memref<1x9x512xi32, #tpu.memory_space<hbm>>
        %dma_wait3A_84 = tpu.memref_squeeze %dma_wait3A_83 : memref<1x9x512xi32, #tpu.memory_space<hbm>> -> memref<9x512xi32, #tpu.memory_space<hbm>>
        tpu.wait_dma2 semaphore(%run_scoped3A_56 : memref<!tpu.dma_semaphore, #tpu.memory_space<semaphore_mem>>) src(%dma_wait3A_84 : memref<9x512xi32, #tpu.memory_space<hbm>>) dst(%dma_wait3A_80 : memref<9x512xi32, #tpu.memory_space<vmem>>)
        tpu.yield
      }) : () -> ()
      %run_scoped3A_54 = arith.constant 0 : i32
      "tpu.region"() ({
        %run_scoped3A_56 = tpu.sem_alloc : memref<!tpu.dma_semaphore, #tpu.memory_space<semaphore_mem>>
        %dma_start3A_57 = arith.constant 9 : i32
        %dma_start3A_58 = arith.constant 0 : i32
        %dma_start3A_59 = tpu.memref_slice %arg6[%dma_start3A_57, %dma_start3A_58] : memref<24x512xi32, #tpu.memory_space<vmem>> -> memref<15x512xi32, #tpu.memory_space<vmem>>
        %dma_start3A_60 = arith.constant 0 : i32
        %dma_start3A_61 = arith.constant 0 : i32
        %dma_start3A_62 = tpu.memref_slice %arg4[%run_scoped3A_54, %dma_start3A_60, %dma_start3A_61] : memref<2x15x512xi32, #tpu.memory_space<hbm>> -> memref<1x15x512xi32, #tpu.memory_space<hbm>>
        %dma_start3A_63 = tpu.memref_squeeze %dma_start3A_62 : memref<1x15x512xi32, #tpu.memory_space<hbm>> -> memref<15x512xi32, #tpu.memory_space<hbm>>
        %dma_start3A_64 = arith.constant 9 : i32
        %dma_start3A_65 = arith.constant 0 : i32
        %dma_start3A_66 = tpu.memref_slice %arg6[%dma_start3A_64, %dma_start3A_65] : memref<24x512xi32, #tpu.memory_space<vmem>> -> memref<15x512xi32, #tpu.memory_space<vmem>>
        %dma_start3A_67 = arith.constant 0 : i32
        %dma_start3A_68 = arith.constant 0 : i32
        %dma_start3A_69 = tpu.memref_slice %arg4[%run_scoped3A_54, %dma_start3A_67, %dma_start3A_68] : memref<2x15x512xi32, #tpu.memory_space<hbm>> -> memref<1x15x512xi32, #tpu.memory_space<hbm>>
        %dma_start3A_70 = tpu.memref_squeeze %dma_start3A_69 : memref<1x15x512xi32, #tpu.memory_space<hbm>> -> memref<15x512xi32, #tpu.memory_space<hbm>>
        tpu.enqueue_dma source(%dma_start3A_70 : memref<15x512xi32, #tpu.memory_space<hbm>>) target(%dma_start3A_66 : memref<15x512xi32, #tpu.memory_space<vmem>>) target_semaphore(%run_scoped3A_56 : memref<!tpu.dma_semaphore, #tpu.memory_space<semaphore_mem>>)
        %dma_wait3A_71 = arith.constant 9 : i32
        %dma_wait3A_72 = arith.constant 0 : i32
        %dma_wait3A_73 = tpu.memref_slice %arg6[%dma_wait3A_71, %dma_wait3A_72] : memref<24x512xi32, #tpu.memory_space<vmem>> -> memref<15x512xi32, #tpu.memory_space<vmem>>
        %dma_wait3A_74 = arith.constant 0 : i32
        %dma_wait3A_75 = arith.constant 0 : i32
        %dma_wait3A_76 = tpu.memref_slice %arg4[%run_scoped3A_54, %dma_wait3A_74, %dma_wait3A_75] : memref<2x15x512xi32, #tpu.memory_space<hbm>> -> memref<1x15x512xi32, #tpu.memory_space<hbm>>
        %dma_wait3A_77 = tpu.memref_squeeze %dma_wait3A_76 : memref<1x15x512xi32, #tpu.memory_space<hbm>> -> memref<15x512xi32, #tpu.memory_space<hbm>>
        %dma_wait3A_78 = arith.constant 9 : i32
        %dma_wait3A_79 = arith.constant 0 : i32
        %dma_wait3A_80 = tpu.memref_slice %arg6[%dma_wait3A_78, %dma_wait3A_79] : memref<24x512xi32, #tpu.memory_space<vmem>> -> memref<15x512xi32, #tpu.memory_space<vmem>>
        %dma_wait3A_81 = arith.constant 0 : i32
        %dma_wait3A_82 = arith.constant 0 : i32
        %dma_wait3A_83 = tpu.memref_slice %arg4[%run_scoped3A_54, %dma_wait3A_81, %dma_wait3A_82] : memref<2x15x512xi32, #tpu.memory_space<hbm>> -> memref<1x15x512xi32, #tpu.memory_space<hbm>>
        %dma_wait3A_84 = tpu.memref_squeeze %dma_wait3A_83 : memref<1x15x512xi32, #tpu.memory_space<hbm>> -> memref<15x512xi32, #tpu.memory_space<hbm>>
        tpu.wait_dma2 semaphore(%run_scoped3A_56 : memref<!tpu.dma_semaphore, #tpu.memory_space<semaphore_mem>>) src(%dma_wait3A_84 : memref<15x512xi32, #tpu.memory_space<hbm>>) dst(%dma_wait3A_80 : memref<15x512xi32, #tpu.memory_space<vmem>>)
        tpu.yield
      }) : () -> ()
      %run_scoped3A_55 = arith.constant 1 : i32
      "tpu.region"() ({
        %run_scoped3A_56 = tpu.sem_alloc : memref<!tpu.dma_semaphore, #tpu.memory_space<semaphore_mem>>
        %dma_start3A_57 = arith.constant 9 : i32
        %dma_start3A_58 = arith.constant 0 : i32
        %dma_start3A_59 = tpu.memref_slice %arg7[%dma_start3A_57, %dma_start3A_58] : memref<24x512xi32, #tpu.memory_space<vmem>> -> memref<15x512xi32, #tpu.memory_space<vmem>>
        %dma_start3A_60 = arith.constant 0 : i32
        %dma_start3A_61 = arith.constant 0 : i32
        %dma_start3A_62 = tpu.memref_slice %arg4[%run_scoped3A_55, %dma_start3A_60, %dma_start3A_61] : memref<2x15x512xi32, #tpu.memory_space<hbm>> -> memref<1x15x512xi32, #tpu.memory_space<hbm>>
        %dma_start3A_63 = tpu.memref_squeeze %dma_start3A_62 : memref<1x15x512xi32, #tpu.memory_space<hbm>> -> memref<15x512xi32, #tpu.memory_space<hbm>>
        %dma_start3A_64 = arith.constant 9 : i32
        %dma_start3A_65 = arith.constant 0 : i32
        %dma_start3A_66 = tpu.memref_slice %arg7[%dma_start3A_64, %dma_start3A_65] : memref<24x512xi32, #tpu.memory_space<vmem>> -> memref<15x512xi32, #tpu.memory_space<vmem>>
        %dma_start3A_67 = arith.constant 0 : i32
        %dma_start3A_68 = arith.constant 0 : i32
        %dma_start3A_69 = tpu.memref_slice %arg4[%run_scoped3A_55, %dma_start3A_67, %dma_start3A_68] : memref<2x15x512xi32, #tpu.memory_space<hbm>> -> memref<1x15x512xi32, #tpu.memory_space<hbm>>
        %dma_start3A_70 = tpu.memref_squeeze %dma_start3A_69 : memref<1x15x512xi32, #tpu.memory_space<hbm>> -> memref<15x512xi32, #tpu.memory_space<hbm>>
        tpu.enqueue_dma source(%dma_start3A_70 : memref<15x512xi32, #tpu.memory_space<hbm>>) target(%dma_start3A_66 : memref<15x512xi32, #tpu.memory_space<vmem>>) target_semaphore(%run_scoped3A_56 : memref<!tpu.dma_semaphore, #tpu.memory_space<semaphore_mem>>)
        %dma_wait3A_71 = arith.constant 9 : i32
        %dma_wait3A_72 = arith.constant 0 : i32
        %dma_wait3A_73 = tpu.memref_slice %arg7[%dma_wait3A_71, %dma_wait3A_72] : memref<24x512xi32, #tpu.memory_space<vmem>> -> memref<15x512xi32, #tpu.memory_space<vmem>>
        %dma_wait3A_74 = arith.constant 0 : i32
        %dma_wait3A_75 = arith.constant 0 : i32
        %dma_wait3A_76 = tpu.memref_slice %arg4[%run_scoped3A_55, %dma_wait3A_74, %dma_wait3A_75] : memref<2x15x512xi32, #tpu.memory_space<hbm>> -> memref<1x15x512xi32, #tpu.memory_space<hbm>>
        %dma_wait3A_77 = tpu.memref_squeeze %dma_wait3A_76 : memref<1x15x512xi32, #tpu.memory_space<hbm>> -> memref<15x512xi32, #tpu.memory_space<hbm>>
        %dma_wait3A_78 = arith.constant 9 : i32
        %dma_wait3A_79 = arith.constant 0 : i32
        %dma_wait3A_80 = tpu.memref_slice %arg7[%dma_wait3A_78, %dma_wait3A_79] : memref<24x512xi32, #tpu.memory_space<vmem>> -> memref<15x512xi32, #tpu.memory_space<vmem>>
        %dma_wait3A_81 = arith.constant 0 : i32
        %dma_wait3A_82 = arith.constant 0 : i32
        %dma_wait3A_83 = tpu.memref_slice %arg4[%run_scoped3A_55, %dma_wait3A_81, %dma_wait3A_82] : memref<2x15x512xi32, #tpu.memory_space<hbm>> -> memref<1x15x512xi32, #tpu.memory_space<hbm>>
        %dma_wait3A_84 = tpu.memref_squeeze %dma_wait3A_83 : memref<1x15x512xi32, #tpu.memory_space<hbm>> -> memref<15x512xi32, #tpu.memory_space<hbm>>
        tpu.wait_dma2 semaphore(%run_scoped3A_56 : memref<!tpu.dma_semaphore, #tpu.memory_space<semaphore_mem>>) src(%dma_wait3A_84 : memref<15x512xi32, #tpu.memory_space<hbm>>) dst(%dma_wait3A_80 : memref<15x512xi32, #tpu.memory_space<vmem>>)
        tpu.yield
      }) : () -> ()
    } else {
    }
    %lt3A_13 = arith.constant 10 : i32
    %lt3A_14 = arith.cmpi slt, %arg1, %lt3A_13 : i32
    %convert_element_type3A_15 = arith.extui %lt3A_14 : i1 to i32
    %cond3A_16 = arith.constant 0 : i32
    %cond3A_17 = arith.cmpi ne, %convert_element_type3A_15, %cond3A_16 : i32
    scf.if %cond3A_17 {
      "tpu.region"() ({
        %run_scoped3A = tpu.sem_alloc : memref<!tpu.dma_semaphore, #tpu.memory_space<semaphore_mem>>
        %dma_start3A_53 = arith.constant 0 : i32
        %dma_start3A_54 = tpu.memref_slice %arg9[%mul3A_2, %dma_start3A_53] : memref<10008x64xf32, #tpu.memory_space<vmem_shared>> -> memref<1000x64xf32, #tpu.memory_space<vmem_shared>>
        %dma_start3A_55 = arith.constant 0 : i32
        %dma_start3A_56 = tpu.memref_slice %arg2[%mul3A_2, %dma_start3A_55] : memref<10000x64xf32, #tpu.memory_space<hbm>> -> memref<1000x64xf32, #tpu.memory_space<hbm>>
        tpu.enqueue_dma source(%dma_start3A_56 : memref<1000x64xf32, #tpu.memory_space<hbm>>) target(%dma_start3A_54 : memref<1000x64xf32, #tpu.memory_space<vmem_shared>>) target_semaphore(%run_scoped3A : memref<!tpu.dma_semaphore, #tpu.memory_space<semaphore_mem>>)
        %dma_wait3A_57 = arith.constant 0 : i32
        %dma_wait3A_58 = tpu.memref_slice %arg9[%mul3A_2, %dma_wait3A_57] : memref<10008x64xf32, #tpu.memory_space<vmem_shared>> -> memref<1000x64xf32, #tpu.memory_space<vmem_shared>>
        %dma_wait3A_59 = arith.constant 0 : i32
        %dma_wait3A_60 = tpu.memref_slice %arg2[%mul3A_2, %dma_wait3A_59] : memref<10000x64xf32, #tpu.memory_space<hbm>> -> memref<1000x64xf32, #tpu.memory_space<hbm>>
        tpu.wait_dma2 semaphore(%run_scoped3A : memref<!tpu.dma_semaphore, #tpu.memory_space<semaphore_mem>>) src(%dma_wait3A_60 : memref<1000x64xf32, #tpu.memory_space<hbm>>) dst(%dma_wait3A_58 : memref<1000x64xf32, #tpu.memory_space<vmem_shared>>)
        tpu.yield
      }) : () -> ()
    } else {
    }
    %barrier3A = arith.constant 0 : index
    tpu.barrier barrier_id(%barrier3A)
    %add3A_18 = arith.constant 0 : i32
    %add3A_19 = arith.addi %sub3A_6, %add3A_18 : i32
    %dma_start3A = arith.constant 0 : i32
    %dma_start3A_20 = arith.constant 0 : i32
    %dma_start3A_21 = arith.constant 0 : i32
    %dma_start3A_22 = tpu.memref_slice %arg8[%dma_start3A, %dma_start3A_20, %dma_start3A_21] : memref<2x512x64xf32, #tpu.memory_space<vmem>> -> memref<1x512x64xf32, #tpu.memory_space<vmem>>
    %dma_start3A_23 = tpu.memref_squeeze %dma_start3A_22 : memref<1x512x64xf32, #tpu.memory_space<vmem>> -> memref<512x64xf32, #tpu.memory_space<vmem>>
    %dma_start3A_24 = arith.constant 0 : i32
    %dma_start3A_25 = tpu.memref_slice %arg6[%add3A_19, %dma_start3A_24] : memref<24x512xi32, #tpu.memory_space<vmem>> -> memref<1x512xi32, #tpu.memory_space<vmem>>
    %dma_start3A_26 = tpu.memref_squeeze %dma_start3A_25 : memref<1x512xi32, #tpu.memory_space<vmem>> -> memref<512xi32, #tpu.memory_space<vmem>>
    %dma_start3A_27 = arith.constant 0 : i32
    %dma_start3A_28 = arith.constant 0 : i32
    %dma_start3A_29 = tpu.memref_slice %arg2[%dma_start3A_27, %dma_start3A_28] : memref<10000x64xf32, #tpu.memory_space<hbm>> -> memref<10000x64xf32, #tpu.memory_space<hbm>>
    tpu.enqueue_indirect_dma source(%dma_start3A_29 : memref<10000x64xf32, #tpu.memory_space<hbm>>) target(%dma_start3A_23 : memref<512x64xf32, #tpu.memory_space<vmem>>) offsets(%dma_start3A_26 : memref<512xi32, #tpu.memory_space<vmem>>) semaphore(%arg10 : memref<!tpu.dma_semaphore, #tpu.memory_space<semaphore_mem>>)
    %scan3A = arith.constant 0 : i32
    %scan3A_30 = arith.constant 0 : i32
    %scan3A_31 = arith.constant 10 : i32
    %scan3A_32 = arith.addi %scan3A_30, %scan3A_31 : i32
    %scan3A_33 = arith.constant 1 : i32
    scf.for %scan3A_53 = %scan3A_30 to %scan3A_32 step %scan3A_33  : i32 {
      %mul3A_54 = arith.constant 2 : i32
      %mul3A_55 = arith.muli %mul3A_54, %scan3A_53 : i32
      %add3A_56 = arith.constant 1 : i32
      %add3A_57 = arith.addi %mul3A_55, %add3A_56 : i32
      %gt3A = arith.constant 0 : i32
      %gt3A_58 = arith.cmpi sgt, %scan3A_53, %gt3A : i32
      %convert_element_type3A_59 = arith.extui %gt3A_58 : i1 to i32
      %cond3A_60 = arith.constant 0 : i32
      %cond3A_61 = arith.cmpi ne, %convert_element_type3A_59, %cond3A_60 : i32
      scf.if %cond3A_61 {
        %sub3A_139 = arith.constant 2 : i32
        %sub3A_140 = arith.subi %add3A_57, %sub3A_139 : i32
        %add3A_141 = arith.addi %sub3A_6, %sub3A_140 : i32
        %dma_wait3A_142 = arith.constant 1 : i32
        %dma_wait3A_143 = arith.constant 0 : i32
        %dma_wait3A_144 = arith.constant 0 : i32
        %dma_wait3A_145 = tpu.memref_slice %arg8[%dma_wait3A_142, %dma_wait3A_143, %dma_wait3A_144] : memref<2x512x64xf32, #tpu.memory_space<vmem>> -> memref<1x512x64xf32, #tpu.memory_space<vmem>>
        %dma_wait3A_146 = tpu.memref_squeeze %dma_wait3A_145 : memref<1x512x64xf32, #tpu.memory_space<vmem>> -> memref<512x64xf32, #tpu.memory_space<vmem>>
        %dma_wait3A_147 = arith.constant 0 : i32
        %dma_wait3A_148 = tpu.memref_slice %arg7[%add3A_141, %dma_wait3A_147] : memref<24x512xi32, #tpu.memory_space<vmem>> -> memref<1x512xi32, #tpu.memory_space<vmem>>
        %dma_wait3A_149 = tpu.memref_squeeze %dma_wait3A_148 : memref<1x512xi32, #tpu.memory_space<vmem>> -> memref<512xi32, #tpu.memory_space<vmem>>
        %dma_wait3A_150 = arith.constant 0 : i32
        %dma_wait3A_151 = arith.constant 0 : i32
        %dma_wait3A_152 = tpu.memref_slice %arg9[%dma_wait3A_150, %dma_wait3A_151] : memref<10008x64xf32, #tpu.memory_space<vmem_shared>> -> memref<10008x64xf32, #tpu.memory_space<vmem_shared>>
        tpu.wait_indirect_dma semaphore(%arg13 : memref<!tpu.dma_semaphore, #tpu.memory_space<semaphore_mem>>) src(%dma_wait3A_146 : memref<512x64xf32, #tpu.memory_space<vmem>>) dst(%dma_wait3A_152 : memref<10008x64xf32, #tpu.memory_space<vmem_shared>>)
      } else {
      }
      %add3A_62 = arith.addi %sub3A_6, %add3A_57 : i32
      %dma_start3A_63 = arith.constant 1 : i32
      %dma_start3A_64 = arith.constant 0 : i32
      %dma_start3A_65 = arith.constant 0 : i32
      %dma_start3A_66 = tpu.memref_slice %arg8[%dma_start3A_63, %dma_start3A_64, %dma_start3A_65] : memref<2x512x64xf32, #tpu.memory_space<vmem>> -> memref<1x512x64xf32, #tpu.memory_space<vmem>>
      %dma_start3A_67 = tpu.memref_squeeze %dma_start3A_66 : memref<1x512x64xf32, #tpu.memory_space<vmem>> -> memref<512x64xf32, #tpu.memory_space<vmem>>
      %dma_start3A_68 = arith.constant 0 : i32
      %dma_start3A_69 = tpu.memref_slice %arg6[%add3A_62, %dma_start3A_68] : memref<24x512xi32, #tpu.memory_space<vmem>> -> memref<1x512xi32, #tpu.memory_space<vmem>>
      %dma_start3A_70 = tpu.memref_squeeze %dma_start3A_69 : memref<1x512xi32, #tpu.memory_space<vmem>> -> memref<512xi32, #tpu.memory_space<vmem>>
      %dma_start3A_71 = arith.constant 0 : i32
      %dma_start3A_72 = arith.constant 0 : i32
      %dma_start3A_73 = tpu.memref_slice %arg2[%dma_start3A_71, %dma_start3A_72] : memref<10000x64xf32, #tpu.memory_space<hbm>> -> memref<10000x64xf32, #tpu.memory_space<hbm>>
      tpu.enqueue_indirect_dma source(%dma_start3A_73 : memref<10000x64xf32, #tpu.memory_space<hbm>>) target(%dma_start3A_67 : memref<512x64xf32, #tpu.memory_space<vmem>>) offsets(%dma_start3A_70 : memref<512xi32, #tpu.memory_space<vmem>>) semaphore(%arg11 : memref<!tpu.dma_semaphore, #tpu.memory_space<semaphore_mem>>)
      %add3A_74 = arith.addi %sub3A_6, %mul3A_55 : i32
      %dma_wait3A_75 = arith.constant 0 : i32
      %dma_wait3A_76 = arith.constant 0 : i32
      %dma_wait3A_77 = arith.constant 0 : i32
      %dma_wait3A_78 = tpu.memref_slice %arg8[%dma_wait3A_75, %dma_wait3A_76, %dma_wait3A_77] : memref<2x512x64xf32, #tpu.memory_space<vmem>> -> memref<1x512x64xf32, #tpu.memory_space<vmem>>
      %dma_wait3A_79 = tpu.memref_squeeze %dma_wait3A_78 : memref<1x512x64xf32, #tpu.memory_space<vmem>> -> memref<512x64xf32, #tpu.memory_space<vmem>>
      %dma_wait3A_80 = arith.constant 0 : i32
      %dma_wait3A_81 = tpu.memref_slice %arg6[%add3A_74, %dma_wait3A_80] : memref<24x512xi32, #tpu.memory_space<vmem>> -> memref<1x512xi32, #tpu.memory_space<vmem>>
      %dma_wait3A_82 = tpu.memref_squeeze %dma_wait3A_81 : memref<1x512xi32, #tpu.memory_space<vmem>> -> memref<512xi32, #tpu.memory_space<vmem>>
      %dma_wait3A_83 = arith.constant 0 : i32
      %dma_wait3A_84 = arith.constant 0 : i32
      %dma_wait3A_85 = tpu.memref_slice %arg2[%dma_wait3A_83, %dma_wait3A_84] : memref<10000x64xf32, #tpu.memory_space<hbm>> -> memref<10000x64xf32, #tpu.memory_space<hbm>>
      tpu.wait_indirect_dma semaphore(%arg10 : memref<!tpu.dma_semaphore, #tpu.memory_space<semaphore_mem>>) src(%dma_wait3A_85 : memref<10000x64xf32, #tpu.memory_space<hbm>>) dst(%dma_wait3A_79 : memref<512x64xf32, #tpu.memory_space<vmem>>)
      %add3A_86 = arith.addi %sub3A_6, %mul3A_55 : i32
      %dma_start3A_87 = arith.constant 0 : i32
      %dma_start3A_88 = arith.constant 0 : i32
      %dma_start3A_89 = arith.constant 0 : i32
      %dma_start3A_90 = tpu.memref_slice %arg8[%dma_start3A_87, %dma_start3A_88, %dma_start3A_89] : memref<2x512x64xf32, #tpu.memory_space<vmem>> -> memref<1x512x64xf32, #tpu.memory_space<vmem>>
      %dma_start3A_91 = tpu.memref_squeeze %dma_start3A_90 : memref<1x512x64xf32, #tpu.memory_space<vmem>> -> memref<512x64xf32, #tpu.memory_space<vmem>>
      %dma_start3A_92 = arith.constant 0 : i32
      %dma_start3A_93 = tpu.memref_slice %arg7[%add3A_86, %dma_start3A_92] : memref<24x512xi32, #tpu.memory_space<vmem>> -> memref<1x512xi32, #tpu.memory_space<vmem>>
      %dma_start3A_94 = tpu.memref_squeeze %dma_start3A_93 : memref<1x512xi32, #tpu.memory_space<vmem>> -> memref<512xi32, #tpu.memory_space<vmem>>
      %dma_start3A_95 = arith.constant 0 : i32
      %dma_start3A_96 = arith.constant 0 : i32
      %dma_start3A_97 = tpu.memref_slice %arg9[%dma_start3A_95, %dma_start3A_96] : memref<10008x64xf32, #tpu.memory_space<vmem_shared>> -> memref<10008x64xf32, #tpu.memory_space<vmem_shared>>
      tpu.enqueue_indirect_dma source(%dma_start3A_91 : memref<512x64xf32, #tpu.memory_space<vmem>>) target(%dma_start3A_97 : memref<10008x64xf32, #tpu.memory_space<vmem_shared>>) offsets(%dma_start3A_94 : memref<512xi32, #tpu.memory_space<vmem>>) semaphore(%arg12 : memref<!tpu.dma_semaphore, #tpu.memory_space<semaphore_mem>>) {add = true}
      %add3A_98 = arith.addi %sub3A_6, %mul3A_55 : i32
      %dma_wait3A_99 = arith.constant 0 : i32
      %dma_wait3A_100 = arith.constant 0 : i32
      %dma_wait3A_101 = arith.constant 0 : i32
      %dma_wait3A_102 = tpu.memref_slice %arg8[%dma_wait3A_99, %dma_wait3A_100, %dma_wait3A_101] : memref<2x512x64xf32, #tpu.memory_space<vmem>> -> memref<1x512x64xf32, #tpu.memory_space<vmem>>
      %dma_wait3A_103 = tpu.memref_squeeze %dma_wait3A_102 : memref<1x512x64xf32, #tpu.memory_space<vmem>> -> memref<512x64xf32, #tpu.memory_space<vmem>>
      %dma_wait3A_104 = arith.constant 0 : i32
      %dma_wait3A_105 = tpu.memref_slice %arg7[%add3A_98, %dma_wait3A_104] : memref<24x512xi32, #tpu.memory_space<vmem>> -> memref<1x512xi32, #tpu.memory_space<vmem>>
      %dma_wait3A_106 = tpu.memref_squeeze %dma_wait3A_105 : memref<1x512xi32, #tpu.memory_space<vmem>> -> memref<512xi32, #tpu.memory_space<vmem>>
      %dma_wait3A_107 = arith.constant 0 : i32
      %dma_wait3A_108 = arith.constant 0 : i32
      %dma_wait3A_109 = tpu.memref_slice %arg9[%dma_wait3A_107, %dma_wait3A_108] : memref<10008x64xf32, #tpu.memory_space<vmem_shared>> -> memref<10008x64xf32, #tpu.memory_space<vmem_shared>>
      tpu.wait_indirect_dma semaphore(%arg12 : memref<!tpu.dma_semaphore, #tpu.memory_space<semaphore_mem>>) src(%dma_wait3A_103 : memref<512x64xf32, #tpu.memory_space<vmem>>) dst(%dma_wait3A_109 : memref<10008x64xf32, #tpu.memory_space<vmem_shared>>)
      %lt3A_110 = arith.constant 9 : i32
      %lt3A_111 = arith.cmpi slt, %scan3A_53, %lt3A_110 : i32
      %convert_element_type3A_112 = arith.extui %lt3A_111 : i1 to i32
      %cond3A_113 = arith.constant 0 : i32
      %cond3A_114 = arith.cmpi ne, %convert_element_type3A_112, %cond3A_113 : i32
      scf.if %cond3A_114 {
        %add3A_139 = arith.constant 2 : i32
        %add3A_140 = arith.addi %mul3A_55, %add3A_139 : i32
        %add3A_141 = arith.addi %sub3A_6, %add3A_140 : i32
        %dma_start3A_142 = arith.constant 0 : i32
        %dma_start3A_143 = arith.constant 0 : i32
        %dma_start3A_144 = arith.constant 0 : i32
        %dma_start3A_145 = tpu.memref_slice %arg8[%dma_start3A_142, %dma_start3A_143, %dma_start3A_144] : memref<2x512x64xf32, #tpu.memory_space<vmem>> -> memref<1x512x64xf32, #tpu.memory_space<vmem>>
        %dma_start3A_146 = tpu.memref_squeeze %dma_start3A_145 : memref<1x512x64xf32, #tpu.memory_space<vmem>> -> memref<512x64xf32, #tpu.memory_space<vmem>>
        %dma_start3A_147 = arith.constant 0 : i32
        %dma_start3A_148 = tpu.memref_slice %arg6[%add3A_141, %dma_start3A_147] : memref<24x512xi32, #tpu.memory_space<vmem>> -> memref<1x512xi32, #tpu.memory_space<vmem>>
        %dma_start3A_149 = tpu.memref_squeeze %dma_start3A_148 : memref<1x512xi32, #tpu.memory_space<vmem>> -> memref<512xi32, #tpu.memory_space<vmem>>
        %dma_start3A_150 = arith.constant 0 : i32
        %dma_start3A_151 = arith.constant 0 : i32
        %dma_start3A_152 = tpu.memref_slice %arg2[%dma_start3A_150, %dma_start3A_151] : memref<10000x64xf32, #tpu.memory_space<hbm>> -> memref<10000x64xf32, #tpu.memory_space<hbm>>
        tpu.enqueue_indirect_dma source(%dma_start3A_152 : memref<10000x64xf32, #tpu.memory_space<hbm>>) target(%dma_start3A_146 : memref<512x64xf32, #tpu.memory_space<vmem>>) offsets(%dma_start3A_149 : memref<512xi32, #tpu.memory_space<vmem>>) semaphore(%arg10 : memref<!tpu.dma_semaphore, #tpu.memory_space<semaphore_mem>>)
      } else {
      }
      %add3A_115 = arith.addi %sub3A_6, %add3A_57 : i32
      %dma_wait3A_116 = arith.constant 1 : i32
      %dma_wait3A_117 = arith.constant 0 : i32
      %dma_wait3A_118 = arith.constant 0 : i32
      %dma_wait3A_119 = tpu.memref_slice %arg8[%dma_wait3A_116, %dma_wait3A_117, %dma_wait3A_118] : memref<2x512x64xf32, #tpu.memory_space<vmem>> -> memref<1x512x64xf32, #tpu.memory_space<vmem>>
      %dma_wait3A_120 = tpu.memref_squeeze %dma_wait3A_119 : memref<1x512x64xf32, #tpu.memory_space<vmem>> -> memref<512x64xf32, #tpu.memory_space<vmem>>
      %dma_wait3A_121 = arith.constant 0 : i32
      %dma_wait3A_122 = tpu.memref_slice %arg6[%add3A_115, %dma_wait3A_121] : memref<24x512xi32, #tpu.memory_space<vmem>> -> memref<1x512xi32, #tpu.memory_space<vmem>>
      %dma_wait3A_123 = tpu.memref_squeeze %dma_wait3A_122 : memref<1x512xi32, #tpu.memory_space<vmem>> -> memref<512xi32, #tpu.memory_space<vmem>>
      %dma_wait3A_124 = arith.constant 0 : i32
      %dma_wait3A_125 = arith.constant 0 : i32
      %dma_wait3A_126 = tpu.memref_slice %arg2[%dma_wait3A_124, %dma_wait3A_125] : memref<10000x64xf32, #tpu.memory_space<hbm>> -> memref<10000x64xf32, #tpu.memory_space<hbm>>
      tpu.wait_indirect_dma semaphore(%arg11 : memref<!tpu.dma_semaphore, #tpu.memory_space<semaphore_mem>>) src(%dma_wait3A_126 : memref<10000x64xf32, #tpu.memory_space<hbm>>) dst(%dma_wait3A_120 : memref<512x64xf32, #tpu.memory_space<vmem>>)
      %add3A_127 = arith.addi %sub3A_6, %add3A_57 : i32
      %dma_start3A_128 = arith.constant 1 : i32
      %dma_start3A_129 = arith.constant 0 : i32
      %dma_start3A_130 = arith.constant 0 : i32
      %dma_start3A_131 = tpu.memref_slice %arg8[%dma_start3A_128, %dma_start3A_129, %dma_start3A_130] : memref<2x512x64xf32, #tpu.memory_space<vmem>> -> memref<1x512x64xf32, #tpu.memory_space<vmem>>
      %dma_start3A_132 = tpu.memref_squeeze %dma_start3A_131 : memref<1x512x64xf32, #tpu.memory_space<vmem>> -> memref<512x64xf32, #tpu.memory_space<vmem>>
      %dma_start3A_133 = arith.constant 0 : i32
      %dma_start3A_134 = tpu.memref_slice %arg7[%add3A_127, %dma_start3A_133] : memref<24x512xi32, #tpu.memory_space<vmem>> -> memref<1x512xi32, #tpu.memory_space<vmem>>
      %dma_start3A_135 = tpu.memref_squeeze %dma_start3A_134 : memref<1x512xi32, #tpu.memory_space<vmem>> -> memref<512xi32, #tpu.memory_space<vmem>>
      %dma_start3A_136 = arith.constant 0 : i32
      %dma_start3A_137 = arith.constant 0 : i32
      %dma_start3A_138 = tpu.memref_slice %arg9[%dma_start3A_136, %dma_start3A_137] : memref<10008x64xf32, #tpu.memory_space<vmem_shared>> -> memref<10008x64xf32, #tpu.memory_space<vmem_shared>>
      tpu.enqueue_indirect_dma source(%dma_start3A_132 : memref<512x64xf32, #tpu.memory_space<vmem>>) target(%dma_start3A_138 : memref<10008x64xf32, #tpu.memory_space<vmem_shared>>) offsets(%dma_start3A_135 : memref<512xi32, #tpu.memory_space<vmem>>) semaphore(%arg13 : memref<!tpu.dma_semaphore, #tpu.memory_space<semaphore_mem>>) {add = true}
    }
    %scan3A_34 = arith.constant 10 : i32
    %add3A_35 = arith.constant 19 : i32
    %add3A_36 = arith.addi %sub3A_6, %add3A_35 : i32
    %dma_wait3A = arith.constant 1 : i32
    %dma_wait3A_37 = arith.constant 0 : i32
    %dma_wait3A_38 = arith.constant 0 : i32
    %dma_wait3A_39 = tpu.memref_slice %arg8[%dma_wait3A, %dma_wait3A_37, %dma_wait3A_38] : memref<2x512x64xf32, #tpu.memory_space<vmem>> -> memref<1x512x64xf32, #tpu.memory_space<vmem>>
    %dma_wait3A_40 = tpu.memref_squeeze %dma_wait3A_39 : memref<1x512x64xf32, #tpu.memory_space<vmem>> -> memref<512x64xf32, #tpu.memory_space<vmem>>
    %dma_wait3A_41 = arith.constant 0 : i32
    %dma_wait3A_42 = tpu.memref_slice %arg7[%add3A_36, %dma_wait3A_41] : memref<24x512xi32, #tpu.memory_space<vmem>> -> memref<1x512xi32, #tpu.memory_space<vmem>>
    %dma_wait3A_43 = tpu.memref_squeeze %dma_wait3A_42 : memref<1x512xi32, #tpu.memory_space<vmem>> -> memref<512xi32, #tpu.memory_space<vmem>>
    %dma_wait3A_44 = arith.constant 0 : i32
    %dma_wait3A_45 = arith.constant 0 : i32
    %dma_wait3A_46 = tpu.memref_slice %arg9[%dma_wait3A_44, %dma_wait3A_45] : memref<10008x64xf32, #tpu.memory_space<vmem_shared>> -> memref<10008x64xf32, #tpu.memory_space<vmem_shared>>
    tpu.wait_indirect_dma semaphore(%arg13 : memref<!tpu.dma_semaphore, #tpu.memory_space<semaphore_mem>>) src(%dma_wait3A_40 : memref<512x64xf32, #tpu.memory_space<vmem>>) dst(%dma_wait3A_46 : memref<10008x64xf32, #tpu.memory_space<vmem_shared>>)
    %barrier3A_47 = arith.constant 0 : index
    tpu.barrier barrier_id(%barrier3A_47)
    %lt3A_48 = arith.constant 10 : i32
    %lt3A_49 = arith.cmpi slt, %arg1, %lt3A_48 : i32
    %convert_element_type3A_50 = arith.extui %lt3A_49 : i1 to i32
    %cond3A_51 = arith.constant 0 : i32
    %cond3A_52 = arith.cmpi ne, %convert_element_type3A_50, %cond3A_51 : i32
    scf.if %cond3A_52 {
      "tpu.region"() ({
        %run_scoped3A = tpu.sem_alloc : memref<!tpu.dma_semaphore, #tpu.memory_space<semaphore_mem>>
        %dma_start3A_53 = arith.constant 0 : i32
        %dma_start3A_54 = tpu.memref_slice %arg5[%arg0, %mul3A_2, %dma_start3A_53] : memref<2x10000x64xf32, #tpu.memory_space<hbm>> -> memref<1x1000x64xf32, #tpu.memory_space<hbm>>
        %dma_start3A_55 = tpu.memref_squeeze %dma_start3A_54 : memref<1x1000x64xf32, #tpu.memory_space<hbm>> -> memref<1000x64xf32, #tpu.memory_space<hbm>>
        %dma_start3A_56 = arith.constant 0 : i32
        %dma_start3A_57 = tpu.memref_slice %arg9[%mul3A_2, %dma_start3A_56] : memref<10008x64xf32, #tpu.memory_space<vmem_shared>> -> memref<1000x64xf32, #tpu.memory_space<vmem_shared>>
        tpu.enqueue_dma source(%dma_start3A_57 : memref<1000x64xf32, #tpu.memory_space<vmem_shared>>) target(%dma_start3A_55 : memref<1000x64xf32, #tpu.memory_space<hbm>>) target_semaphore(%run_scoped3A : memref<!tpu.dma_semaphore, #tpu.memory_space<semaphore_mem>>)
        %dma_wait3A_58 = arith.constant 0 : i32
        %dma_wait3A_59 = tpu.memref_slice %arg5[%arg0, %mul3A_2, %dma_wait3A_58] : memref<2x10000x64xf32, #tpu.memory_space<hbm>> -> memref<1x1000x64xf32, #tpu.memory_space<hbm>>
        %dma_wait3A_60 = tpu.memref_squeeze %dma_wait3A_59 : memref<1x1000x64xf32, #tpu.memory_space<hbm>> -> memref<1000x64xf32, #tpu.memory_space<hbm>>
        %dma_wait3A_61 = arith.constant 0 : i32
        %dma_wait3A_62 = tpu.memref_slice %arg9[%mul3A_2, %dma_wait3A_61] : memref<10008x64xf32, #tpu.memory_space<vmem_shared>> -> memref<1000x64xf32, #tpu.memory_space<vmem_shared>>
        tpu.wait_dma2 semaphore(%run_scoped3A : memref<!tpu.dma_semaphore, #tpu.memory_space<semaphore_mem>>) src(%dma_wait3A_62 : memref<1000x64xf32, #tpu.memory_space<vmem_shared>>) dst(%dma_wait3A_60 : memref<1000x64xf32, #tpu.memory_space<hbm>>)
        tpu.yield
      }) : () -> ()
    } else {
    }
    return
  }
}

#map = affine_map<(d0, d1) -> (0, 0)>
#map1 = affine_map<(d0, d1) -> (0, 0, 0)>
module attributes {stable_mosaic.version = 14 : i64} {
  func.func @agg(%arg0: i32, %arg1: i32, %arg2: memref<10000x64xf32, #tpu.memory_space<hbm>>, %arg3: memref<2x625x512xi32, #tpu.memory_space<hbm>>, %arg4: memref<2x15x512xi32, #tpu.memory_space<hbm>>, %arg5: memref<2x10000x64xf32, #tpu.memory_space<hbm>>, %arg6: memref<24x512xi32, #tpu.memory_space<vmem>>, %arg7: memref<24x512xi32, #tpu.memory_space<vmem>>, %arg8: memref<2x512x64xf32, #tpu.memory_space<vmem>>, %arg9: memref<10008x64xf32, #tpu.memory_space<vmem_shared>>, %arg10: memref<!tpu.dma_semaphore, #tpu.memory_space<semaphore_mem>>, %arg11: memref<!tpu.dma_semaphore, #tpu.memory_space<semaphore_mem>>, %arg12: memref<!tpu.dma_semaphore, #tpu.memory_space<semaphore_mem>>, %arg13: memref<!tpu.dma_semaphore, #tpu.memory_space<semaphore_mem>>) attributes {dimension_semantics = [#tpu.dimension_semantics<core_parallel>, #tpu.dimension_semantics<subcore_parallel>], iteration_bounds = array<i64: 2, 16>, scalar_prefetch = 0 : i64, scratch_operands = 8 : i64, tpu.core_type = #tpu.core_type<sc_vector_subcore>, window_params = [{transform_indices = #map}, {transform_indices = #map1}, {transform_indices = #map1}, {transform_indices = #map1}]} {
    %mul3A = arith.constant 2 : i32
    %mul3A_0 = arith.muli %arg1, %mul3A : i32
    %add3A = arith.addi %mul3A_0, %arg0 : i32
    %mul3A_1 = arith.constant 1000 : i32
    %mul3A_2 = arith.muli %arg1, %mul3A_1 : i32
    %mul3A_3 = arith.constant 20 : i32
    %mul3A_4 = arith.muli %add3A, %mul3A_3 : i32
    %rem3A = arith.constant 8 : i32
    %rem3A_5 = arith.remsi %mul3A_4, %rem3A : i32
    %sub3A = arith.subi %mul3A_4, %rem3A_5 : i32
    %sub3A_6 = arith.subi %mul3A_4, %sub3A : i32
    %lt3A = arith.constant 31 : i32
    %lt3A_7 = arith.cmpi slt, %add3A, %lt3A : i32
    %convert_element_type3A = arith.extui %lt3A_7 : i1 to i32
    %cond3A = arith.constant 0 : i32
    %cond3A_8 = arith.cmpi ne, %convert_element_type3A, %cond3A : i32
    scf.if %cond3A_8 {
      %run_scoped3A = arith.constant 0 : i32
      "tpu.region"() ({
        %run_scoped3A_54 = tpu.sem_alloc : memref<!tpu.dma_semaphore, #tpu.memory_space<semaphore_mem>>
        %dma_start3A_55 = arith.constant 0 : i32
        %dma_start3A_56 = tpu.memref_slice %arg3[%run_scoped3A, %sub3A, %dma_start3A_55] : memref<2x625x512xi32, #tpu.memory_space<hbm>> -> memref<1x24x512xi32, #tpu.memory_space<hbm>>
        %dma_start3A_57 = tpu.memref_squeeze %dma_start3A_56 : memref<1x24x512xi32, #tpu.memory_space<hbm>> -> memref<24x512xi32, #tpu.memory_space<hbm>>
        %dma_start3A_58 = arith.constant 0 : i32
        %dma_start3A_59 = tpu.memref_slice %arg3[%run_scoped3A, %sub3A, %dma_start3A_58] : memref<2x625x512xi32, #tpu.memory_space<hbm>> -> memref<1x24x512xi32, #tpu.memory_space<hbm>>
        %dma_start3A_60 = tpu.memref_squeeze %dma_start3A_59 : memref<1x24x512xi32, #tpu.memory_space<hbm>> -> memref<24x512xi32, #tpu.memory_space<hbm>>
        tpu.enqueue_dma source(%dma_start3A_60 : memref<24x512xi32, #tpu.memory_space<hbm>>) target(%arg6 : memref<24x512xi32, #tpu.memory_space<vmem>>) target_semaphore(%run_scoped3A_54 : memref<!tpu.dma_semaphore, #tpu.memory_space<semaphore_mem>>)
        %dma_wait3A_61 = arith.constant 0 : i32
        %dma_wait3A_62 = tpu.memref_slice %arg3[%run_scoped3A, %sub3A, %dma_wait3A_61] : memref<2x625x512xi32, #tpu.memory_space<hbm>> -> memref<1x24x512xi32, #tpu.memory_space<hbm>>
        %dma_wait3A_63 = tpu.memref_squeeze %dma_wait3A_62 : memref<1x24x512xi32, #tpu.memory_space<hbm>> -> memref<24x512xi32, #tpu.memory_space<hbm>>
        %dma_wait3A_64 = arith.constant 0 : i32
        %dma_wait3A_65 = tpu.memref_slice %arg3[%run_scoped3A, %sub3A, %dma_wait3A_64] : memref<2x625x512xi32, #tpu.memory_space<hbm>> -> memref<1x24x512xi32, #tpu.memory_space<hbm>>
        %dma_wait3A_66 = tpu.memref_squeeze %dma_wait3A_65 : memref<1x24x512xi32, #tpu.memory_space<hbm>> -> memref<24x512xi32, #tpu.memory_space<hbm>>
        tpu.wait_dma2 semaphore(%run_scoped3A_54 : memref<!tpu.dma_semaphore, #tpu.memory_space<semaphore_mem>>) src(%dma_wait3A_66 : memref<24x512xi32, #tpu.memory_space<hbm>>) dst(%arg6 : memref<24x512xi32, #tpu.memory_space<vmem>>)
        tpu.yield
      }) : () -> ()
      %run_scoped3A_53 = arith.constant 1 : i32
      "tpu.region"() ({
        %run_scoped3A_54 = tpu.sem_alloc : memref<!tpu.dma_semaphore, #tpu.memory_space<semaphore_mem>>
        %dma_start3A_55 = arith.constant 0 : i32
        %dma_start3A_56 = tpu.memref_slice %arg3[%run_scoped3A_53, %sub3A, %dma_start3A_55] : memref<2x625x512xi32, #tpu.memory_space<hbm>> -> memref<1x24x512xi32, #tpu.memory_space<hbm>>
        %dma_start3A_57 = tpu.memref_squeeze %dma_start3A_56 : memref<1x24x512xi32, #tpu.memory_space<hbm>> -> memref<24x512xi32, #tpu.memory_space<hbm>>
        %dma_start3A_58 = arith.constant 0 : i32
        %dma_start3A_59 = tpu.memref_slice %arg3[%run_scoped3A_53, %sub3A, %dma_start3A_58] : memref<2x625x512xi32, #tpu.memory_space<hbm>> -> memref<1x24x512xi32, #tpu.memory_space<hbm>>
        %dma_start3A_60 = tpu.memref_squeeze %dma_start3A_59 : memref<1x24x512xi32, #tpu.memory_space<hbm>> -> memref<24x512xi32, #tpu.memory_space<hbm>>
        tpu.enqueue_dma source(%dma_start3A_60 : memref<24x512xi32, #tpu.memory_space<hbm>>) target(%arg7 : memref<24x512xi32, #tpu.memory_space<vmem>>) target_semaphore(%run_scoped3A_54 : memref<!tpu.dma_semaphore, #tpu.memory_space<semaphore_mem>>)
        %dma_wait3A_61 = arith.constant 0 : i32
        %dma_wait3A_62 = tpu.memref_slice %arg3[%run_scoped3A_53, %sub3A, %dma_wait3A_61] : memref<2x625x512xi32, #tpu.memory_space<hbm>> -> memref<1x24x512xi32, #tpu.memory_space<hbm>>
        %dma_wait3A_63 = tpu.memref_squeeze %dma_wait3A_62 : memref<1x24x512xi32, #tpu.memory_space<hbm>> -> memref<24x512xi32, #tpu.memory_space<hbm>>
        %dma_wait3A_64 = arith.constant 0 : i32
        %dma_wait3A_65 = tpu.memref_slice %arg3[%run_scoped3A_53, %sub3A, %dma_wait3A_64] : memref<2x625x512xi32, #tpu.memory_space<hbm>> -> memref<1x24x512xi32, #tpu.memory_space<hbm>>
        %dma_wait3A_66 = tpu.memref_squeeze %dma_wait3A_65 : memref<1x24x512xi32, #tpu.memory_space<hbm>> -> memref<24x512xi32, #tpu.memory_space<hbm>>
        tpu.wait_dma2 semaphore(%run_scoped3A_54 : memref<!tpu.dma_semaphore, #tpu.memory_space<semaphore_mem>>) src(%dma_wait3A_66 : memref<24x512xi32, #tpu.memory_space<hbm>>) dst(%arg7 : memref<24x512xi32, #tpu.memory_space<vmem>>)
        tpu.yield
      }) : () -> ()
    } else {
    }
    %eq3A = arith.constant 31 : i32
    %eq3A_9 = arith.cmpi eq, %add3A, %eq3A : i32
    %convert_element_type3A_10 = arith.extui %eq3A_9 : i1 to i32
    %cond3A_11 = arith.constant 0 : i32
    %cond3A_12 = arith.cmpi ne, %convert_element_type3A_10, %cond3A_11 : i32
    scf.if %cond3A_12 {
      %run_scoped3A = arith.constant 0 : i32
      "tpu.region"() ({
        %run_scoped3A_56 = tpu.sem_alloc : memref<!tpu.dma_semaphore, #tpu.memory_space<semaphore_mem>>
        %dma_start3A_57 = arith.constant 0 : i32
        %dma_start3A_58 = arith.constant 0 : i32
        %dma_start3A_59 = tpu.memref_slice %arg6[%dma_start3A_57, %dma_start3A_58] : memref<24x512xi32, #tpu.memory_space<vmem>> -> memref<9x512xi32, #tpu.memory_space<vmem>>
        %dma_start3A_60 = arith.constant 616 : i32
        %dma_start3A_61 = arith.constant 0 : i32
        %dma_start3A_62 = tpu.memref_slice %arg3[%run_scoped3A, %dma_start3A_60, %dma_start3A_61] : memref<2x625x512xi32, #tpu.memory_space<hbm>> -> memref<1x9x512xi32, #tpu.memory_space<hbm>>
        %dma_start3A_63 = tpu.memref_squeeze %dma_start3A_62 : memref<1x9x512xi32, #tpu.memory_space<hbm>> -> memref<9x512xi32, #tpu.memory_space<hbm>>
        %dma_start3A_64 = arith.constant 0 : i32
        %dma_start3A_65 = arith.constant 0 : i32
        %dma_start3A_66 = tpu.memref_slice %arg6[%dma_start3A_64, %dma_start3A_65] : memref<24x512xi32, #tpu.memory_space<vmem>> -> memref<9x512xi32, #tpu.memory_space<vmem>>
        %dma_start3A_67 = arith.constant 616 : i32
        %dma_start3A_68 = arith.constant 0 : i32
        %dma_start3A_69 = tpu.memref_slice %arg3[%run_scoped3A, %dma_start3A_67, %dma_start3A_68] : memref<2x625x512xi32, #tpu.memory_space<hbm>> -> memref<1x9x512xi32, #tpu.memory_space<hbm>>
        %dma_start3A_70 = tpu.memref_squeeze %dma_start3A_69 : memref<1x9x512xi32, #tpu.memory_space<hbm>> -> memref<9x512xi32, #tpu.memory_space<hbm>>
        tpu.enqueue_dma source(%dma_start3A_70 : memref<9x512xi32, #tpu.memory_space<hbm>>) target(%dma_start3A_66 : memref<9x512xi32, #tpu.memory_space<vmem>>) target_semaphore(%run_scoped3A_56 : memref<!tpu.dma_semaphore, #tpu.memory_space<semaphore_mem>>)
        %dma_wait3A_71 = arith.constant 0 : i32
        %dma_wait3A_72 = arith.constant 0 : i32
        %dma_wait3A_73 = tpu.memref_slice %arg6[%dma_wait3A_71, %dma_wait3A_72] : memref<24x512xi32, #tpu.memory_space<vmem>> -> memref<9x512xi32, #tpu.memory_space<vmem>>
        %dma_wait3A_74 = arith.constant 616 : i32
        %dma_wait3A_75 = arith.constant 0 : i32
        %dma_wait3A_76 = tpu.memref_slice %arg3[%run_scoped3A, %dma_wait3A_74, %dma_wait3A_75] : memref<2x625x512xi32, #tpu.memory_space<hbm>> -> memref<1x9x512xi32, #tpu.memory_space<hbm>>
        %dma_wait3A_77 = tpu.memref_squeeze %dma_wait3A_76 : memref<1x9x512xi32, #tpu.memory_space<hbm>> -> memref<9x512xi32, #tpu.memory_space<hbm>>
        %dma_wait3A_78 = arith.constant 0 : i32
        %dma_wait3A_79 = arith.constant 0 : i32
        %dma_wait3A_80 = tpu.memref_slice %arg6[%dma_wait3A_78, %dma_wait3A_79] : memref<24x512xi32, #tpu.memory_space<vmem>> -> memref<9x512xi32, #tpu.memory_space<vmem>>
        %dma_wait3A_81 = arith.constant 616 : i32
        %dma_wait3A_82 = arith.constant 0 : i32
        %dma_wait3A_83 = tpu.memref_slice %arg3[%run_scoped3A, %dma_wait3A_81, %dma_wait3A_82] : memref<2x625x512xi32, #tpu.memory_space<hbm>> -> memref<1x9x512xi32, #tpu.memory_space<hbm>>
        %dma_wait3A_84 = tpu.memref_squeeze %dma_wait3A_83 : memref<1x9x512xi32, #tpu.memory_space<hbm>> -> memref<9x512xi32, #tpu.memory_space<hbm>>
        tpu.wait_dma2 semaphore(%run_scoped3A_56 : memref<!tpu.dma_semaphore, #tpu.memory_space<semaphore_mem>>) src(%dma_wait3A_84 : memref<9x512xi32, #tpu.memory_space<hbm>>) dst(%dma_wait3A_80 : memref<9x512xi32, #tpu.memory_space<vmem>>)
        tpu.yield
      }) : () -> ()
      %run_scoped3A_53 = arith.constant 1 : i32
      "tpu.region"() ({
        %run_scoped3A_56 = tpu.sem_alloc : memref<!tpu.dma_semaphore, #tpu.memory_space<semaphore_mem>>
        %dma_start3A_57 = arith.constant 0 : i32
        %dma_start3A_58 = arith.constant 0 : i32
        %dma_start3A_59 = tpu.memref_slice %arg7[%dma_start3A_57, %dma_start3A_58] : memref<24x512xi32, #tpu.memory_space<vmem>> -> memref<9x512xi32, #tpu.memory_space<vmem>>
        %dma_start3A_60 = arith.constant 616 : i32
        %dma_start3A_61 = arith.constant 0 : i32
        %dma_start3A_62 = tpu.memref_slice %arg3[%run_scoped3A_53, %dma_start3A_60, %dma_start3A_61] : memref<2x625x512xi32, #tpu.memory_space<hbm>> -> memref<1x9x512xi32, #tpu.memory_space<hbm>>
        %dma_start3A_63 = tpu.memref_squeeze %dma_start3A_62 : memref<1x9x512xi32, #tpu.memory_space<hbm>> -> memref<9x512xi32, #tpu.memory_space<hbm>>
        %dma_start3A_64 = arith.constant 0 : i32
        %dma_start3A_65 = arith.constant 0 : i32
        %dma_start3A_66 = tpu.memref_slice %arg7[%dma_start3A_64, %dma_start3A_65] : memref<24x512xi32, #tpu.memory_space<vmem>> -> memref<9x512xi32, #tpu.memory_space<vmem>>
        %dma_start3A_67 = arith.constant 616 : i32
        %dma_start3A_68 = arith.constant 0 : i32
        %dma_start3A_69 = tpu.memref_slice %arg3[%run_scoped3A_53, %dma_start3A_67, %dma_start3A_68] : memref<2x625x512xi32, #tpu.memory_space<hbm>> -> memref<1x9x512xi32, #tpu.memory_space<hbm>>
        %dma_start3A_70 = tpu.memref_squeeze %dma_start3A_69 : memref<1x9x512xi32, #tpu.memory_space<hbm>> -> memref<9x512xi32, #tpu.memory_space<hbm>>
        tpu.enqueue_dma source(%dma_start3A_70 : memref<9x512xi32, #tpu.memory_space<hbm>>) target(%dma_start3A_66 : memref<9x512xi32, #tpu.memory_space<vmem>>) target_semaphore(%run_scoped3A_56 : memref<!tpu.dma_semaphore, #tpu.memory_space<semaphore_mem>>)
        %dma_wait3A_71 = arith.constant 0 : i32
        %dma_wait3A_72 = arith.constant 0 : i32
        %dma_wait3A_73 = tpu.memref_slice %arg7[%dma_wait3A_71, %dma_wait3A_72] : memref<24x512xi32, #tpu.memory_space<vmem>> -> memref<9x512xi32, #tpu.memory_space<vmem>>
        %dma_wait3A_74 = arith.constant 616 : i32
        %dma_wait3A_75 = arith.constant 0 : i32
        %dma_wait3A_76 = tpu.memref_slice %arg3[%run_scoped3A_53, %dma_wait3A_74, %dma_wait3A_75] : memref<2x625x512xi32, #tpu.memory_space<hbm>> -> memref<1x9x512xi32, #tpu.memory_space<hbm>>
        %dma_wait3A_77 = tpu.memref_squeeze %dma_wait3A_76 : memref<1x9x512xi32, #tpu.memory_space<hbm>> -> memref<9x512xi32, #tpu.memory_space<hbm>>
        %dma_wait3A_78 = arith.constant 0 : i32
        %dma_wait3A_79 = arith.constant 0 : i32
        %dma_wait3A_80 = tpu.memref_slice %arg7[%dma_wait3A_78, %dma_wait3A_79] : memref<24x512xi32, #tpu.memory_space<vmem>> -> memref<9x512xi32, #tpu.memory_space<vmem>>
        %dma_wait3A_81 = arith.constant 616 : i32
        %dma_wait3A_82 = arith.constant 0 : i32
        %dma_wait3A_83 = tpu.memref_slice %arg3[%run_scoped3A_53, %dma_wait3A_81, %dma_wait3A_82] : memref<2x625x512xi32, #tpu.memory_space<hbm>> -> memref<1x9x512xi32, #tpu.memory_space<hbm>>
        %dma_wait3A_84 = tpu.memref_squeeze %dma_wait3A_83 : memref<1x9x512xi32, #tpu.memory_space<hbm>> -> memref<9x512xi32, #tpu.memory_space<hbm>>
        tpu.wait_dma2 semaphore(%run_scoped3A_56 : memref<!tpu.dma_semaphore, #tpu.memory_space<semaphore_mem>>) src(%dma_wait3A_84 : memref<9x512xi32, #tpu.memory_space<hbm>>) dst(%dma_wait3A_80 : memref<9x512xi32, #tpu.memory_space<vmem>>)
        tpu.yield
      }) : () -> ()
      %run_scoped3A_54 = arith.constant 0 : i32
      "tpu.region"() ({
        %run_scoped3A_56 = tpu.sem_alloc : memref<!tpu.dma_semaphore, #tpu.memory_space<semaphore_mem>>
        %dma_start3A_57 = arith.constant 9 : i32
        %dma_start3A_58 = arith.constant 0 : i32
        %dma_start3A_59 = tpu.memref_slice %arg6[%dma_start3A_57, %dma_start3A_58] : memref<24x512xi32, #tpu.memory_space<vmem>> -> memref<15x512xi32, #tpu.memory_space<vmem>>
        %dma_start3A_60 = arith.constant 0 : i32
        %dma_start3A_61 = arith.constant 0 : i32
        %dma_start3A_62 = tpu.memref_slice %arg4[%run_scoped3A_54, %dma_start3A_60, %dma_start3A_61] : memref<2x15x512xi32, #tpu.memory_space<hbm>> -> memref<1x15x512xi32, #tpu.memory_space<hbm>>
        %dma_start3A_63 = tpu.memref_squeeze %dma_start3A_62 : memref<1x15x512xi32, #tpu.memory_space<hbm>> -> memref<15x512xi32, #tpu.memory_space<hbm>>
        %dma_start3A_64 = arith.constant 9 : i32
        %dma_start3A_65 = arith.constant 0 : i32
        %dma_start3A_66 = tpu.memref_slice %arg6[%dma_start3A_64, %dma_start3A_65] : memref<24x512xi32, #tpu.memory_space<vmem>> -> memref<15x512xi32, #tpu.memory_space<vmem>>
        %dma_start3A_67 = arith.constant 0 : i32
        %dma_start3A_68 = arith.constant 0 : i32
        %dma_start3A_69 = tpu.memref_slice %arg4[%run_scoped3A_54, %dma_start3A_67, %dma_start3A_68] : memref<2x15x512xi32, #tpu.memory_space<hbm>> -> memref<1x15x512xi32, #tpu.memory_space<hbm>>
        %dma_start3A_70 = tpu.memref_squeeze %dma_start3A_69 : memref<1x15x512xi32, #tpu.memory_space<hbm>> -> memref<15x512xi32, #tpu.memory_space<hbm>>
        tpu.enqueue_dma source(%dma_start3A_70 : memref<15x512xi32, #tpu.memory_space<hbm>>) target(%dma_start3A_66 : memref<15x512xi32, #tpu.memory_space<vmem>>) target_semaphore(%run_scoped3A_56 : memref<!tpu.dma_semaphore, #tpu.memory_space<semaphore_mem>>)
        %dma_wait3A_71 = arith.constant 9 : i32
        %dma_wait3A_72 = arith.constant 0 : i32
        %dma_wait3A_73 = tpu.memref_slice %arg6[%dma_wait3A_71, %dma_wait3A_72] : memref<24x512xi32, #tpu.memory_space<vmem>> -> memref<15x512xi32, #tpu.memory_space<vmem>>
        %dma_wait3A_74 = arith.constant 0 : i32
        %dma_wait3A_75 = arith.constant 0 : i32
        %dma_wait3A_76 = tpu.memref_slice %arg4[%run_scoped3A_54, %dma_wait3A_74, %dma_wait3A_75] : memref<2x15x512xi32, #tpu.memory_space<hbm>> -> memref<1x15x512xi32, #tpu.memory_space<hbm>>
        %dma_wait3A_77 = tpu.memref_squeeze %dma_wait3A_76 : memref<1x15x512xi32, #tpu.memory_space<hbm>> -> memref<15x512xi32, #tpu.memory_space<hbm>>
        %dma_wait3A_78 = arith.constant 9 : i32
        %dma_wait3A_79 = arith.constant 0 : i32
        %dma_wait3A_80 = tpu.memref_slice %arg6[%dma_wait3A_78, %dma_wait3A_79] : memref<24x512xi32, #tpu.memory_space<vmem>> -> memref<15x512xi32, #tpu.memory_space<vmem>>
        %dma_wait3A_81 = arith.constant 0 : i32
        %dma_wait3A_82 = arith.constant 0 : i32
        %dma_wait3A_83 = tpu.memref_slice %arg4[%run_scoped3A_54, %dma_wait3A_81, %dma_wait3A_82] : memref<2x15x512xi32, #tpu.memory_space<hbm>> -> memref<1x15x512xi32, #tpu.memory_space<hbm>>
        %dma_wait3A_84 = tpu.memref_squeeze %dma_wait3A_83 : memref<1x15x512xi32, #tpu.memory_space<hbm>> -> memref<15x512xi32, #tpu.memory_space<hbm>>
        tpu.wait_dma2 semaphore(%run_scoped3A_56 : memref<!tpu.dma_semaphore, #tpu.memory_space<semaphore_mem>>) src(%dma_wait3A_84 : memref<15x512xi32, #tpu.memory_space<hbm>>) dst(%dma_wait3A_80 : memref<15x512xi32, #tpu.memory_space<vmem>>)
        tpu.yield
      }) : () -> ()
      %run_scoped3A_55 = arith.constant 1 : i32
      "tpu.region"() ({
        %run_scoped3A_56 = tpu.sem_alloc : memref<!tpu.dma_semaphore, #tpu.memory_space<semaphore_mem>>
        %dma_start3A_57 = arith.constant 9 : i32
        %dma_start3A_58 = arith.constant 0 : i32
        %dma_start3A_59 = tpu.memref_slice %arg7[%dma_start3A_57, %dma_start3A_58] : memref<24x512xi32, #tpu.memory_space<vmem>> -> memref<15x512xi32, #tpu.memory_space<vmem>>
        %dma_start3A_60 = arith.constant 0 : i32
        %dma_start3A_61 = arith.constant 0 : i32
        %dma_start3A_62 = tpu.memref_slice %arg4[%run_scoped3A_55, %dma_start3A_60, %dma_start3A_61] : memref<2x15x512xi32, #tpu.memory_space<hbm>> -> memref<1x15x512xi32, #tpu.memory_space<hbm>>
        %dma_start3A_63 = tpu.memref_squeeze %dma_start3A_62 : memref<1x15x512xi32, #tpu.memory_space<hbm>> -> memref<15x512xi32, #tpu.memory_space<hbm>>
        %dma_start3A_64 = arith.constant 9 : i32
        %dma_start3A_65 = arith.constant 0 : i32
        %dma_start3A_66 = tpu.memref_slice %arg7[%dma_start3A_64, %dma_start3A_65] : memref<24x512xi32, #tpu.memory_space<vmem>> -> memref<15x512xi32, #tpu.memory_space<vmem>>
        %dma_start3A_67 = arith.constant 0 : i32
        %dma_start3A_68 = arith.constant 0 : i32
        %dma_start3A_69 = tpu.memref_slice %arg4[%run_scoped3A_55, %dma_start3A_67, %dma_start3A_68] : memref<2x15x512xi32, #tpu.memory_space<hbm>> -> memref<1x15x512xi32, #tpu.memory_space<hbm>>
        %dma_start3A_70 = tpu.memref_squeeze %dma_start3A_69 : memref<1x15x512xi32, #tpu.memory_space<hbm>> -> memref<15x512xi32, #tpu.memory_space<hbm>>
        tpu.enqueue_dma source(%dma_start3A_70 : memref<15x512xi32, #tpu.memory_space<hbm>>) target(%dma_start3A_66 : memref<15x512xi32, #tpu.memory_space<vmem>>) target_semaphore(%run_scoped3A_56 : memref<!tpu.dma_semaphore, #tpu.memory_space<semaphore_mem>>)
        %dma_wait3A_71 = arith.constant 9 : i32
        %dma_wait3A_72 = arith.constant 0 : i32
        %dma_wait3A_73 = tpu.memref_slice %arg7[%dma_wait3A_71, %dma_wait3A_72] : memref<24x512xi32, #tpu.memory_space<vmem>> -> memref<15x512xi32, #tpu.memory_space<vmem>>
        %dma_wait3A_74 = arith.constant 0 : i32
        %dma_wait3A_75 = arith.constant 0 : i32
        %dma_wait3A_76 = tpu.memref_slice %arg4[%run_scoped3A_55, %dma_wait3A_74, %dma_wait3A_75] : memref<2x15x512xi32, #tpu.memory_space<hbm>> -> memref<1x15x512xi32, #tpu.memory_space<hbm>>
        %dma_wait3A_77 = tpu.memref_squeeze %dma_wait3A_76 : memref<1x15x512xi32, #tpu.memory_space<hbm>> -> memref<15x512xi32, #tpu.memory_space<hbm>>
        %dma_wait3A_78 = arith.constant 9 : i32
        %dma_wait3A_79 = arith.constant 0 : i32
        %dma_wait3A_80 = tpu.memref_slice %arg7[%dma_wait3A_78, %dma_wait3A_79] : memref<24x512xi32, #tpu.memory_space<vmem>> -> memref<15x512xi32, #tpu.memory_space<vmem>>
        %dma_wait3A_81 = arith.constant 0 : i32
        %dma_wait3A_82 = arith.constant 0 : i32
        %dma_wait3A_83 = tpu.memref_slice %arg4[%run_scoped3A_55, %dma_wait3A_81, %dma_wait3A_82] : memref<2x15x512xi32, #tpu.memory_space<hbm>> -> memref<1x15x512xi32, #tpu.memory_space<hbm>>
        %dma_wait3A_84 = tpu.memref_squeeze %dma_wait3A_83 : memref<1x15x512xi32, #tpu.memory_space<hbm>> -> memref<15x512xi32, #tpu.memory_space<hbm>>
        tpu.wait_dma2 semaphore(%run_scoped3A_56 : memref<!tpu.dma_semaphore, #tpu.memory_space<semaphore_mem>>) src(%dma_wait3A_84 : memref<15x512xi32, #tpu.memory_space<hbm>>) dst(%dma_wait3A_80 : memref<15x512xi32, #tpu.memory_space<vmem>>)
        tpu.yield
      }) : () -> ()
    } else {
    }
    %lt3A_13 = arith.constant 10 : i32
    %lt3A_14 = arith.cmpi slt, %arg1, %lt3A_13 : i32
    %convert_element_type3A_15 = arith.extui %lt3A_14 : i1 to i32
    %cond3A_16 = arith.constant 0 : i32
    %cond3A_17 = arith.cmpi ne, %convert_element_type3A_15, %cond3A_16 : i32
    scf.if %cond3A_17 {
      "tpu.region"() ({
        %run_scoped3A = tpu.sem_alloc : memref<!tpu.dma_semaphore, #tpu.memory_space<semaphore_mem>>
        %dma_start3A_53 = arith.constant 0 : i32
        %dma_start3A_54 = tpu.memref_slice %arg9[%mul3A_2, %dma_start3A_53] : memref<10008x64xf32, #tpu.memory_space<vmem_shared>> -> memref<1000x64xf32, #tpu.memory_space<vmem_shared>>
        %dma_start3A_55 = arith.constant 0 : i32
        %dma_start3A_56 = tpu.memref_slice %arg2[%mul3A_2, %dma_start3A_55] : memref<10000x64xf32, #tpu.memory_space<hbm>> -> memref<1000x64xf32, #tpu.memory_space<hbm>>
        tpu.enqueue_dma source(%dma_start3A_56 : memref<1000x64xf32, #tpu.memory_space<hbm>>) target(%dma_start3A_54 : memref<1000x64xf32, #tpu.memory_space<vmem_shared>>) target_semaphore(%run_scoped3A : memref<!tpu.dma_semaphore, #tpu.memory_space<semaphore_mem>>)
        %dma_wait3A_57 = arith.constant 0 : i32
        %dma_wait3A_58 = tpu.memref_slice %arg9[%mul3A_2, %dma_wait3A_57] : memref<10008x64xf32, #tpu.memory_space<vmem_shared>> -> memref<1000x64xf32, #tpu.memory_space<vmem_shared>>
        %dma_wait3A_59 = arith.constant 0 : i32
        %dma_wait3A_60 = tpu.memref_slice %arg2[%mul3A_2, %dma_wait3A_59] : memref<10000x64xf32, #tpu.memory_space<hbm>> -> memref<1000x64xf32, #tpu.memory_space<hbm>>
        tpu.wait_dma2 semaphore(%run_scoped3A : memref<!tpu.dma_semaphore, #tpu.memory_space<semaphore_mem>>) src(%dma_wait3A_60 : memref<1000x64xf32, #tpu.memory_space<hbm>>) dst(%dma_wait3A_58 : memref<1000x64xf32, #tpu.memory_space<vmem_shared>>)
        tpu.yield
      }) : () -> ()
    } else {
    }
    %barrier3A = arith.constant 0 : index
    tpu.barrier barrier_id(%barrier3A)
    %add3A_18 = arith.constant 0 : i32
    %add3A_19 = arith.addi %sub3A_6, %add3A_18 : i32
    %dma_start3A = arith.constant 0 : i32
    %dma_start3A_20 = arith.constant 0 : i32
    %dma_start3A_21 = arith.constant 0 : i32
    %dma_start3A_22 = tpu.memref_slice %arg8[%dma_start3A, %dma_start3A_20, %dma_start3A_21] : memref<2x512x64xf32, #tpu.memory_space<vmem>> -> memref<1x512x64xf32, #tpu.memory_space<vmem>>
    %dma_start3A_23 = tpu.memref_squeeze %dma_start3A_22 : memref<1x512x64xf32, #tpu.memory_space<vmem>> -> memref<512x64xf32, #tpu.memory_space<vmem>>
    %dma_start3A_24 = arith.constant 0 : i32
    %dma_start3A_25 = tpu.memref_slice %arg6[%add3A_19, %dma_start3A_24] : memref<24x512xi32, #tpu.memory_space<vmem>> -> memref<1x512xi32, #tpu.memory_space<vmem>>
    %dma_start3A_26 = tpu.memref_squeeze %dma_start3A_25 : memref<1x512xi32, #tpu.memory_space<vmem>> -> memref<512xi32, #tpu.memory_space<vmem>>
    %dma_start3A_27 = arith.constant 0 : i32
    %dma_start3A_28 = arith.constant 0 : i32
    %dma_start3A_29 = tpu.memref_slice %arg2[%dma_start3A_27, %dma_start3A_28] : memref<10000x64xf32, #tpu.memory_space<hbm>> -> memref<10000x64xf32, #tpu.memory_space<hbm>>
    tpu.enqueue_indirect_dma source(%dma_start3A_29 : memref<10000x64xf32, #tpu.memory_space<hbm>>) target(%dma_start3A_23 : memref<512x64xf32, #tpu.memory_space<vmem>>) offsets(%dma_start3A_26 : memref<512xi32, #tpu.memory_space<vmem>>) semaphore(%arg10 : memref<!tpu.dma_semaphore, #tpu.memory_space<semaphore_mem>>)
    %scan3A = arith.constant 0 : i32
    %scan3A_30 = arith.constant 0 : i32
    %scan3A_31 = arith.constant 10 : i32
    %scan3A_32 = arith.addi %scan3A_30, %scan3A_31 : i32
    %scan3A_33 = arith.constant 1 : i32
    scf.for %scan3A_53 = %scan3A_30 to %scan3A_32 step %scan3A_33  : i32 {
      %mul3A_54 = arith.constant 2 : i32
      %mul3A_55 = arith.muli %mul3A_54, %scan3A_53 : i32
      %add3A_56 = arith.constant 1 : i32
      %add3A_57 = arith.addi %mul3A_55, %add3A_56 : i32
      %gt3A = arith.constant 0 : i32
      %gt3A_58 = arith.cmpi sgt, %scan3A_53, %gt3A : i32
      %convert_element_type3A_59 = arith.extui %gt3A_58 : i1 to i32
      %cond3A_60 = arith.constant 0 : i32
      %cond3A_61 = arith.cmpi ne, %convert_element_type3A_59, %cond3A_60 : i32
      scf.if %cond3A_61 {
        %sub3A_139 = arith.constant 2 : i32
        %sub3A_140 = arith.subi %add3A_57, %sub3A_139 : i32
        %add3A_141 = arith.addi %sub3A_6, %sub3A_140 : i32
        %dma_wait3A_142 = arith.constant 1 : i32
        %dma_wait3A_143 = arith.constant 0 : i32
        %dma_wait3A_144 = arith.constant 0 : i32
        %dma_wait3A_145 = tpu.memref_slice %arg8[%dma_wait3A_142, %dma_wait3A_143, %dma_wait3A_144] : memref<2x512x64xf32, #tpu.memory_space<vmem>> -> memref<1x512x64xf32, #tpu.memory_space<vmem>>
        %dma_wait3A_146 = tpu.memref_squeeze %dma_wait3A_145 : memref<1x512x64xf32, #tpu.memory_space<vmem>> -> memref<512x64xf32, #tpu.memory_space<vmem>>
        %dma_wait3A_147 = arith.constant 0 : i32
        %dma_wait3A_148 = tpu.memref_slice %arg7[%add3A_141, %dma_wait3A_147] : memref<24x512xi32, #tpu.memory_space<vmem>> -> memref<1x512xi32, #tpu.memory_space<vmem>>
        %dma_wait3A_149 = tpu.memref_squeeze %dma_wait3A_148 : memref<1x512xi32, #tpu.memory_space<vmem>> -> memref<512xi32, #tpu.memory_space<vmem>>
        %dma_wait3A_150 = arith.constant 0 : i32
        %dma_wait3A_151 = arith.constant 0 : i32
        %dma_wait3A_152 = tpu.memref_slice %arg9[%dma_wait3A_150, %dma_wait3A_151] : memref<10008x64xf32, #tpu.memory_space<vmem_shared>> -> memref<10008x64xf32, #tpu.memory_space<vmem_shared>>
        tpu.wait_indirect_dma semaphore(%arg13 : memref<!tpu.dma_semaphore, #tpu.memory_space<semaphore_mem>>) src(%dma_wait3A_146 : memref<512x64xf32, #tpu.memory_space<vmem>>) dst(%dma_wait3A_152 : memref<10008x64xf32, #tpu.memory_space<vmem_shared>>)
      } else {
      }
      %add3A_62 = arith.addi %sub3A_6, %add3A_57 : i32
      %dma_start3A_63 = arith.constant 1 : i32
      %dma_start3A_64 = arith.constant 0 : i32
      %dma_start3A_65 = arith.constant 0 : i32
      %dma_start3A_66 = tpu.memref_slice %arg8[%dma_start3A_63, %dma_start3A_64, %dma_start3A_65] : memref<2x512x64xf32, #tpu.memory_space<vmem>> -> memref<1x512x64xf32, #tpu.memory_space<vmem>>
      %dma_start3A_67 = tpu.memref_squeeze %dma_start3A_66 : memref<1x512x64xf32, #tpu.memory_space<vmem>> -> memref<512x64xf32, #tpu.memory_space<vmem>>
      %dma_start3A_68 = arith.constant 0 : i32
      %dma_start3A_69 = tpu.memref_slice %arg6[%add3A_62, %dma_start3A_68] : memref<24x512xi32, #tpu.memory_space<vmem>> -> memref<1x512xi32, #tpu.memory_space<vmem>>
      %dma_start3A_70 = tpu.memref_squeeze %dma_start3A_69 : memref<1x512xi32, #tpu.memory_space<vmem>> -> memref<512xi32, #tpu.memory_space<vmem>>
      %dma_start3A_71 = arith.constant 0 : i32
      %dma_start3A_72 = arith.constant 0 : i32
      %dma_start3A_73 = tpu.memref_slice %arg2[%dma_start3A_71, %dma_start3A_72] : memref<10000x64xf32, #tpu.memory_space<hbm>> -> memref<10000x64xf32, #tpu.memory_space<hbm>>
      tpu.enqueue_indirect_dma source(%dma_start3A_73 : memref<10000x64xf32, #tpu.memory_space<hbm>>) target(%dma_start3A_67 : memref<512x64xf32, #tpu.memory_space<vmem>>) offsets(%dma_start3A_70 : memref<512xi32, #tpu.memory_space<vmem>>) semaphore(%arg11 : memref<!tpu.dma_semaphore, #tpu.memory_space<semaphore_mem>>)
      %add3A_74 = arith.addi %sub3A_6, %mul3A_55 : i32
      %dma_wait3A_75 = arith.constant 0 : i32
      %dma_wait3A_76 = arith.constant 0 : i32
      %dma_wait3A_77 = arith.constant 0 : i32
      %dma_wait3A_78 = tpu.memref_slice %arg8[%dma_wait3A_75, %dma_wait3A_76, %dma_wait3A_77] : memref<2x512x64xf32, #tpu.memory_space<vmem>> -> memref<1x512x64xf32, #tpu.memory_space<vmem>>
      %dma_wait3A_79 = tpu.memref_squeeze %dma_wait3A_78 : memref<1x512x64xf32, #tpu.memory_space<vmem>> -> memref<512x64xf32, #tpu.memory_space<vmem>>
      %dma_wait3A_80 = arith.constant 0 : i32
      %dma_wait3A_81 = tpu.memref_slice %arg6[%add3A_74, %dma_wait3A_80] : memref<24x512xi32, #tpu.memory_space<vmem>> -> memref<1x512xi32, #tpu.memory_space<vmem>>
      %dma_wait3A_82 = tpu.memref_squeeze %dma_wait3A_81 : memref<1x512xi32, #tpu.memory_space<vmem>> -> memref<512xi32, #tpu.memory_space<vmem>>
      %dma_wait3A_83 = arith.constant 0 : i32
      %dma_wait3A_84 = arith.constant 0 : i32
      %dma_wait3A_85 = tpu.memref_slice %arg2[%dma_wait3A_83, %dma_wait3A_84] : memref<10000x64xf32, #tpu.memory_space<hbm>> -> memref<10000x64xf32, #tpu.memory_space<hbm>>
      tpu.wait_indirect_dma semaphore(%arg10 : memref<!tpu.dma_semaphore, #tpu.memory_space<semaphore_mem>>) src(%dma_wait3A_85 : memref<10000x64xf32, #tpu.memory_space<hbm>>) dst(%dma_wait3A_79 : memref<512x64xf32, #tpu.memory_space<vmem>>)
      %add3A_86 = arith.addi %sub3A_6, %mul3A_55 : i32
      %dma_start3A_87 = arith.constant 0 : i32
      %dma_start3A_88 = arith.constant 0 : i32
      %dma_start3A_89 = arith.constant 0 : i32
      %dma_start3A_90 = tpu.memref_slice %arg8[%dma_start3A_87, %dma_start3A_88, %dma_start3A_89] : memref<2x512x64xf32, #tpu.memory_space<vmem>> -> memref<1x512x64xf32, #tpu.memory_space<vmem>>
      %dma_start3A_91 = tpu.memref_squeeze %dma_start3A_90 : memref<1x512x64xf32, #tpu.memory_space<vmem>> -> memref<512x64xf32, #tpu.memory_space<vmem>>
      %dma_start3A_92 = arith.constant 0 : i32
      %dma_start3A_93 = tpu.memref_slice %arg7[%add3A_86, %dma_start3A_92] : memref<24x512xi32, #tpu.memory_space<vmem>> -> memref<1x512xi32, #tpu.memory_space<vmem>>
      %dma_start3A_94 = tpu.memref_squeeze %dma_start3A_93 : memref<1x512xi32, #tpu.memory_space<vmem>> -> memref<512xi32, #tpu.memory_space<vmem>>
      %dma_start3A_95 = arith.constant 0 : i32
      %dma_start3A_96 = arith.constant 0 : i32
      %dma_start3A_97 = tpu.memref_slice %arg9[%dma_start3A_95, %dma_start3A_96] : memref<10008x64xf32, #tpu.memory_space<vmem_shared>> -> memref<10008x64xf32, #tpu.memory_space<vmem_shared>>
      tpu.enqueue_indirect_dma source(%dma_start3A_91 : memref<512x64xf32, #tpu.memory_space<vmem>>) target(%dma_start3A_97 : memref<10008x64xf32, #tpu.memory_space<vmem_shared>>) offsets(%dma_start3A_94 : memref<512xi32, #tpu.memory_space<vmem>>) semaphore(%arg12 : memref<!tpu.dma_semaphore, #tpu.memory_space<semaphore_mem>>) {add = true}
      %add3A_98 = arith.addi %sub3A_6, %mul3A_55 : i32
      %dma_wait3A_99 = arith.constant 0 : i32
      %dma_wait3A_100 = arith.constant 0 : i32
      %dma_wait3A_101 = arith.constant 0 : i32
      %dma_wait3A_102 = tpu.memref_slice %arg8[%dma_wait3A_99, %dma_wait3A_100, %dma_wait3A_101] : memref<2x512x64xf32, #tpu.memory_space<vmem>> -> memref<1x512x64xf32, #tpu.memory_space<vmem>>
      %dma_wait3A_103 = tpu.memref_squeeze %dma_wait3A_102 : memref<1x512x64xf32, #tpu.memory_space<vmem>> -> memref<512x64xf32, #tpu.memory_space<vmem>>
      %dma_wait3A_104 = arith.constant 0 : i32
      %dma_wait3A_105 = tpu.memref_slice %arg7[%add3A_98, %dma_wait3A_104] : memref<24x512xi32, #tpu.memory_space<vmem>> -> memref<1x512xi32, #tpu.memory_space<vmem>>
      %dma_wait3A_106 = tpu.memref_squeeze %dma_wait3A_105 : memref<1x512xi32, #tpu.memory_space<vmem>> -> memref<512xi32, #tpu.memory_space<vmem>>
      %dma_wait3A_107 = arith.constant 0 : i32
      %dma_wait3A_108 = arith.constant 0 : i32
      %dma_wait3A_109 = tpu.memref_slice %arg9[%dma_wait3A_107, %dma_wait3A_108] : memref<10008x64xf32, #tpu.memory_space<vmem_shared>> -> memref<10008x64xf32, #tpu.memory_space<vmem_shared>>
      tpu.wait_indirect_dma semaphore(%arg12 : memref<!tpu.dma_semaphore, #tpu.memory_space<semaphore_mem>>) src(%dma_wait3A_103 : memref<512x64xf32, #tpu.memory_space<vmem>>) dst(%dma_wait3A_109 : memref<10008x64xf32, #tpu.memory_space<vmem_shared>>)
      %lt3A_110 = arith.constant 9 : i32
      %lt3A_111 = arith.cmpi slt, %scan3A_53, %lt3A_110 : i32
      %convert_element_type3A_112 = arith.extui %lt3A_111 : i1 to i32
      %cond3A_113 = arith.constant 0 : i32
      %cond3A_114 = arith.cmpi ne, %convert_element_type3A_112, %cond3A_113 : i32
      scf.if %cond3A_114 {
        %add3A_139 = arith.constant 2 : i32
        %add3A_140 = arith.addi %mul3A_55, %add3A_139 : i32
        %add3A_141 = arith.addi %sub3A_6, %add3A_140 : i32
        %dma_start3A_142 = arith.constant 0 : i32
        %dma_start3A_143 = arith.constant 0 : i32
        %dma_start3A_144 = arith.constant 0 : i32
        %dma_start3A_145 = tpu.memref_slice %arg8[%dma_start3A_142, %dma_start3A_143, %dma_start3A_144] : memref<2x512x64xf32, #tpu.memory_space<vmem>> -> memref<1x512x64xf32, #tpu.memory_space<vmem>>
        %dma_start3A_146 = tpu.memref_squeeze %dma_start3A_145 : memref<1x512x64xf32, #tpu.memory_space<vmem>> -> memref<512x64xf32, #tpu.memory_space<vmem>>
        %dma_start3A_147 = arith.constant 0 : i32
        %dma_start3A_148 = tpu.memref_slice %arg6[%add3A_141, %dma_start3A_147] : memref<24x512xi32, #tpu.memory_space<vmem>> -> memref<1x512xi32, #tpu.memory_space<vmem>>
        %dma_start3A_149 = tpu.memref_squeeze %dma_start3A_148 : memref<1x512xi32, #tpu.memory_space<vmem>> -> memref<512xi32, #tpu.memory_space<vmem>>
        %dma_start3A_150 = arith.constant 0 : i32
        %dma_start3A_151 = arith.constant 0 : i32
        %dma_start3A_152 = tpu.memref_slice %arg2[%dma_start3A_150, %dma_start3A_151] : memref<10000x64xf32, #tpu.memory_space<hbm>> -> memref<10000x64xf32, #tpu.memory_space<hbm>>
        tpu.enqueue_indirect_dma source(%dma_start3A_152 : memref<10000x64xf32, #tpu.memory_space<hbm>>) target(%dma_start3A_146 : memref<512x64xf32, #tpu.memory_space<vmem>>) offsets(%dma_start3A_149 : memref<512xi32, #tpu.memory_space<vmem>>) semaphore(%arg10 : memref<!tpu.dma_semaphore, #tpu.memory_space<semaphore_mem>>)
      } else {
      }
      %add3A_115 = arith.addi %sub3A_6, %add3A_57 : i32
      %dma_wait3A_116 = arith.constant 1 : i32
      %dma_wait3A_117 = arith.constant 0 : i32
      %dma_wait3A_118 = arith.constant 0 : i32
      %dma_wait3A_119 = tpu.memref_slice %arg8[%dma_wait3A_116, %dma_wait3A_117, %dma_wait3A_118] : memref<2x512x64xf32, #tpu.memory_space<vmem>> -> memref<1x512x64xf32, #tpu.memory_space<vmem>>
      %dma_wait3A_120 = tpu.memref_squeeze %dma_wait3A_119 : memref<1x512x64xf32, #tpu.memory_space<vmem>> -> memref<512x64xf32, #tpu.memory_space<vmem>>
      %dma_wait3A_121 = arith.constant 0 : i32
      %dma_wait3A_122 = tpu.memref_slice %arg6[%add3A_115, %dma_wait3A_121] : memref<24x512xi32, #tpu.memory_space<vmem>> -> memref<1x512xi32, #tpu.memory_space<vmem>>
      %dma_wait3A_123 = tpu.memref_squeeze %dma_wait3A_122 : memref<1x512xi32, #tpu.memory_space<vmem>> -> memref<512xi32, #tpu.memory_space<vmem>>
      %dma_wait3A_124 = arith.constant 0 : i32
      %dma_wait3A_125 = arith.constant 0 : i32
      %dma_wait3A_126 = tpu.memref_slice %arg2[%dma_wait3A_124, %dma_wait3A_125] : memref<10000x64xf32, #tpu.memory_space<hbm>> -> memref<10000x64xf32, #tpu.memory_space<hbm>>
      tpu.wait_indirect_dma semaphore(%arg11 : memref<!tpu.dma_semaphore, #tpu.memory_space<semaphore_mem>>) src(%dma_wait3A_126 : memref<10000x64xf32, #tpu.memory_space<hbm>>) dst(%dma_wait3A_120 : memref<512x64xf32, #tpu.memory_space<vmem>>)
      %add3A_127 = arith.addi %sub3A_6, %add3A_57 : i32
      %dma_start3A_128 = arith.constant 1 : i32
      %dma_start3A_129 = arith.constant 0 : i32
      %dma_start3A_130 = arith.constant 0 : i32
      %dma_start3A_131 = tpu.memref_slice %arg8[%dma_start3A_128, %dma_start3A_129, %dma_start3A_130] : memref<2x512x64xf32, #tpu.memory_space<vmem>> -> memref<1x512x64xf32, #tpu.memory_space<vmem>>
      %dma_start3A_132 = tpu.memref_squeeze %dma_start3A_131 : memref<1x512x64xf32, #tpu.memory_space<vmem>> -> memref<512x64xf32, #tpu.memory_space<vmem>>
      %dma_start3A_133 = arith.constant 0 : i32
      %dma_start3A_134 = tpu.memref_slice %arg7[%add3A_127, %dma_start3A_133] : memref<24x512xi32, #tpu.memory_space<vmem>> -> memref<1x512xi32, #tpu.memory_space<vmem>>
      %dma_start3A_135 = tpu.memref_squeeze %dma_start3A_134 : memref<1x512xi32, #tpu.memory_space<vmem>> -> memref<512xi32, #tpu.memory_space<vmem>>
      %dma_start3A_136 = arith.constant 0 : i32
      %dma_start3A_137 = arith.constant 0 : i32
      %dma_start3A_138 = tpu.memref_slice %arg9[%dma_start3A_136, %dma_start3A_137] : memref<10008x64xf32, #tpu.memory_space<vmem_shared>> -> memref<10008x64xf32, #tpu.memory_space<vmem_shared>>
      tpu.enqueue_indirect_dma source(%dma_start3A_132 : memref<512x64xf32, #tpu.memory_space<vmem>>) target(%dma_start3A_138 : memref<10008x64xf32, #tpu.memory_space<vmem_shared>>) offsets(%dma_start3A_135 : memref<512xi32, #tpu.memory_space<vmem>>) semaphore(%arg13 : memref<!tpu.dma_semaphore, #tpu.memory_space<semaphore_mem>>) {add = true}
    }
    %scan3A_34 = arith.constant 10 : i32
    %add3A_35 = arith.constant 19 : i32
    %add3A_36 = arith.addi %sub3A_6, %add3A_35 : i32
    %dma_wait3A = arith.constant 1 : i32
    %dma_wait3A_37 = arith.constant 0 : i32
    %dma_wait3A_38 = arith.constant 0 : i32
    %dma_wait3A_39 = tpu.memref_slice %arg8[%dma_wait3A, %dma_wait3A_37, %dma_wait3A_38] : memref<2x512x64xf32, #tpu.memory_space<vmem>> -> memref<1x512x64xf32, #tpu.memory_space<vmem>>
    %dma_wait3A_40 = tpu.memref_squeeze %dma_wait3A_39 : memref<1x512x64xf32, #tpu.memory_space<vmem>> -> memref<512x64xf32, #tpu.memory_space<vmem>>
    %dma_wait3A_41 = arith.constant 0 : i32
    %dma_wait3A_42 = tpu.memref_slice %arg7[%add3A_36, %dma_wait3A_41] : memref<24x512xi32, #tpu.memory_space<vmem>> -> memref<1x512xi32, #tpu.memory_space<vmem>>
    %dma_wait3A_43 = tpu.memref_squeeze %dma_wait3A_42 : memref<1x512xi32, #tpu.memory_space<vmem>> -> memref<512xi32, #tpu.memory_space<vmem>>
    %dma_wait3A_44 = arith.constant 0 : i32
    %dma_wait3A_45 = arith.constant 0 : i32
    %dma_wait3A_46 = tpu.memref_slice %arg9[%dma_wait3A_44, %dma_wait3A_45] : memref<10008x64xf32, #tpu.memory_space<vmem_shared>> -> memref<10008x64xf32, #tpu.memory_space<vmem_shared>>
    tpu.wait_indirect_dma semaphore(%arg13 : memref<!tpu.dma_semaphore, #tpu.memory_space<semaphore_mem>>) src(%dma_wait3A_40 : memref<512x64xf32, #tpu.memory_space<vmem>>) dst(%dma_wait3A_46 : memref<10008x64xf32, #tpu.memory_space<vmem_shared>>)
    %barrier3A_47 = arith.constant 0 : index
    tpu.barrier barrier_id(%barrier3A_47)
    %lt3A_48 = arith.constant 10 : i32
    %lt3A_49 = arith.cmpi slt, %arg1, %lt3A_48 : i32
    %convert_element_type3A_50 = arith.extui %lt3A_49 : i1 to i32
    %cond3A_51 = arith.constant 0 : i32
    %cond3A_52 = arith.cmpi ne, %convert_element_type3A_50, %cond3A_51 : i32
    scf.if %cond3A_52 {
      "tpu.region"() ({
        %run_scoped3A = tpu.sem_alloc : memref<!tpu.dma_semaphore, #tpu.memory_space<semaphore_mem>>
        %dma_start3A_53 = arith.constant 0 : i32
        %dma_start3A_54 = tpu.memref_slice %arg5[%arg0, %mul3A_2, %dma_start3A_53] : memref<2x10000x64xf32, #tpu.memory_space<hbm>> -> memref<1x1000x64xf32, #tpu.memory_space<hbm>>
        %dma_start3A_55 = tpu.memref_squeeze %dma_start3A_54 : memref<1x1000x64xf32, #tpu.memory_space<hbm>> -> memref<1000x64xf32, #tpu.memory_space<hbm>>
        %dma_start3A_56 = arith.constant 0 : i32
        %dma_start3A_57 = tpu.memref_slice %arg9[%mul3A_2, %dma_start3A_56] : memref<10008x64xf32, #tpu.memory_space<vmem_shared>> -> memref<1000x64xf32, #tpu.memory_space<vmem_shared>>
        tpu.enqueue_dma source(%dma_start3A_57 : memref<1000x64xf32, #tpu.memory_space<vmem_shared>>) target(%dma_start3A_55 : memref<1000x64xf32, #tpu.memory_space<hbm>>) target_semaphore(%run_scoped3A : memref<!tpu.dma_semaphore, #tpu.memory_space<semaphore_mem>>)
        %dma_wait3A_58 = arith.constant 0 : i32
        %dma_wait3A_59 = tpu.memref_slice %arg5[%arg0, %mul3A_2, %dma_wait3A_58] : memref<2x10000x64xf32, #tpu.memory_space<hbm>> -> memref<1x1000x64xf32, #tpu.memory_space<hbm>>
        %dma_wait3A_60 = tpu.memref_squeeze %dma_wait3A_59 : memref<1x1000x64xf32, #tpu.memory_space<hbm>> -> memref<1000x64xf32, #tpu.memory_space<hbm>>
        %dma_wait3A_61 = arith.constant 0 : i32
        %dma_wait3A_62 = tpu.memref_slice %arg9[%mul3A_2, %dma_wait3A_61] : memref<10008x64xf32, #tpu.memory_space<vmem_shared>> -> memref<1000x64xf32, #tpu.memory_space<vmem_shared>>
        tpu.wait_dma2 semaphore(%run_scoped3A : memref<!tpu.dma_semaphore, #tpu.memory_space<semaphore_mem>>) src(%dma_wait3A_62 : memref<1000x64xf32, #tpu.memory_space<vmem_shared>>) dst(%dma_wait3A_60 : memref<1000x64xf32, #tpu.memory_space<hbm>>)
        tpu.yield
      }) : () -> ()
    } else {
    }
    return
  }
}

module attributes {stable_mosaic.version = 14 : i64} {
  func.func @body(%arg0: memref<2x320000xi32, #tpu.memory_space<vmem>>, %arg1: memref<2x625x512xi32, #tpu.memory_space<vmem>>) attributes {dimension_semantics = [], scalar_prefetch = 0 : i64, scratch_operands = 0 : i64, tpu.core_type = #tpu.core_type<tc>} {
    %get3A = arith.constant 0 : index
    %get3A_0 = arith.constant 0 : index
    %get3A_1 = vector.load %arg0[%get3A, %get3A_0] : memref<2x320000xi32, #tpu.memory_space<vmem>>, vector<2x320000xi32>
    %mul3A = arith.constant 2 : i32
    %mul3A_2 = vector.broadcast %mul3A : i32 to vector<2x320000xi32>
    %mul3A_3 = arith.muli %get3A_1, %mul3A_2 : vector<2x320000xi32>
    %ge3A = arith.constant 5000 : i32
    %ge3A_4 = vector.broadcast %ge3A : i32 to vector<2x320000xi32>
    %ge3A_5 = arith.cmpi sge, %get3A_1, %ge3A_4 : vector<2x320000xi32>
    %jit3A = arith.constant 9999 : i32
    %jit3A_6 = arith.constant 0 : i32
    %broadcast_in_dim3A = vector.broadcast %jit3A : i32 to vector<2x320000xi32>
    %broadcast_in_dim3A_7 = vector.broadcast %jit3A_6 : i32 to vector<2x320000xi32>
    %select_n3A = arith.select %ge3A_5, %broadcast_in_dim3A, %broadcast_in_dim3A_7 : vector<2x320000xi1>, vector<2x320000xi32>
    %sub3A = arith.subi %mul3A_3, %select_n3A : vector<2x320000xi32>
    %reshape3A = vector.shape_cast %sub3A : vector<2x320000xi32> to vector<2x625x512xi32>
    %swap3A = arith.constant 0 : index
    %swap3A_8 = arith.constant 0 : index
    %swap3A_9 = arith.constant 0 : index
    %swap3A_10 = vector.load %arg1[%swap3A, %swap3A_8, %swap3A_9] : memref<2x625x512xi32, #tpu.memory_space<vmem>>, vector<2x625x512xi32>
    tpu.vector_store %arg1[%swap3A, %swap3A_8, %swap3A_9], %reshape3A {strides = array<i32>} : memref<2x625x512xi32, #tpu.memory_space<vmem>>, vector<2x625x512xi32>,
    return
  }
}

module attributes {stable_mosaic.version = 14 : i64} {
  func.func @body(%arg0: memref<10000x128xf32, #tpu.memory_space<vmem>>, %arg1: memref<128x64xf32, #tpu.memory_space<vmem>>, %arg2: memref<5000x128xf32, #tpu.memory_space<vmem>>) attributes {dimension_semantics = [], scalar_prefetch = 0 : i64, scratch_operands = 0 : i64, tpu.core_type = #tpu.core_type<tc>} {
    %get3A = arith.constant 0 : index
    %get3A_0 = arith.constant 0 : index
    %get3A_1 = vector.load %arg0[%get3A, %get3A_0] : memref<10000x128xf32, #tpu.memory_space<vmem>>, vector<5000x128xf32>
    %get3A_2 = arith.constant 0 : index
    %get3A_3 = arith.constant 0 : index
    %get3A_4 = vector.load %arg1[%get3A_2, %get3A_3] : memref<128x64xf32, #tpu.memory_space<vmem>>, vector<128x64xf32>
    %dot_general3A = arith.constant dense<0.000000e+00> : vector<5000x64xf32>
    %dot_general3A_5 = tpu.matmul %get3A_1, %get3A_4, %dot_general3A {dimension_numbers = #tpu.dot_dimension_numbers<[1], [0], [0], [1], [0, 0, 1, 1], [], []>, transpose_lhs_hint = false} : vector<5000x128xf32>, vector<128x64xf32>, vector<5000x64xf32> -> vector<5000x64xf32>
    %get3A_6 = arith.constant 5000 : index
    %get3A_7 = arith.constant 0 : index
    %get3A_8 = vector.load %arg0[%get3A_6, %get3A_7] : memref<10000x128xf32, #tpu.memory_space<vmem>>, vector<5000x128xf32>
    %get3A_9 = arith.constant 0 : index
    %get3A_10 = arith.constant 0 : index
    %get3A_11 = vector.load %arg1[%get3A_9, %get3A_10] : memref<128x64xf32, #tpu.memory_space<vmem>>, vector<128x64xf32>
    %dot_general3A_12 = arith.constant dense<0.000000e+00> : vector<5000x64xf32>
    %dot_general3A_13 = tpu.matmul %get3A_8, %get3A_11, %dot_general3A_12 {dimension_numbers = #tpu.dot_dimension_numbers<[1], [0], [0], [1], [0, 0, 1, 1], [], []>, transpose_lhs_hint = false} : vector<5000x128xf32>, vector<128x64xf32>, vector<5000x64xf32> -> vector<5000x64xf32>
    %concatenate3A = tpu.concatenate %dot_general3A_5, %dot_general3A_13 in 1 : vector<5000x64xf32>, vector<5000x64xf32> -> vector<5000x128xf32>
    %swap3A = arith.constant 0 : index
    %swap3A_14 = arith.constant 0 : index
    %swap3A_15 = vector.load %arg2[%swap3A, %swap3A_14] : memref<5000x128xf32, #tpu.memory_space<vmem>>, vector<5000x128xf32>
    tpu.vector_store %arg2[%swap3A, %swap3A_14], %concatenate3A {strides = array<i32>} : memref<5000x128xf32, #tpu.memory_space<vmem>>, vector<5000x128xf32>,
    return
  }
}

module attributes {stable_mosaic.version = 14 : i64} {
  func.func @body(%arg0: memref<2x5000x128xf32, #tpu.memory_space<vmem>>, %arg1: memref<5000x128xf32, #tpu.memory_space<vmem>>, %arg2: memref<1x128xf32, #tpu.memory_space<vmem>>, %arg3: memref<128x128xf32, #tpu.memory_space<vmem>>, %arg4: memref<1x128xf32, #tpu.memory_space<vmem>>, %arg5: memref<128x128xf32, #tpu.memory_space<vmem>>, %arg6: memref<5000x128xf32, #tpu.memory_space<vmem>>) attributes {dimension_semantics = [], scalar_prefetch = 0 : i64, scratch_operands = 0 : i64, tpu.core_type = #tpu.core_type<tc>} {
    %get3A = arith.constant 0 : index
    %get3A_0 = arith.constant 0 : index
    %get3A_1 = arith.constant 0 : index
    %get3A_2 = vector.load %arg0[%get3A, %get3A_0, %get3A_1] : memref<2x5000x128xf32, #tpu.memory_space<vmem>>, vector<1x5000x128xf32>
    %get3A_3 = vector.shape_cast %get3A_2 : vector<1x5000x128xf32> to vector<5000x128xf32>
    %get3A_4 = arith.constant 1 : index
    %get3A_5 = arith.constant 0 : index
    %get3A_6 = arith.constant 0 : index
    %get3A_7 = vector.load %arg0[%get3A_4, %get3A_5, %get3A_6] : memref<2x5000x128xf32, #tpu.memory_space<vmem>>, vector<1x5000x128xf32>
    %get3A_8 = vector.shape_cast %get3A_7 : vector<1x5000x128xf32> to vector<5000x128xf32>
    %add3A = arith.addf %get3A_3, %get3A_8 : vector<5000x128xf32>
    %get3A_9 = arith.constant 0 : index
    %get3A_10 = arith.constant 0 : index
    %get3A_11 = vector.load %arg1[%get3A_9, %get3A_10] : memref<5000x128xf32, #tpu.memory_space<vmem>>, vector<5000x128xf32>
    %sub3A = arith.subf %add3A, %get3A_11 : vector<5000x128xf32>
    %get3A_12 = arith.constant 0 : index
    %get3A_13 = arith.constant 0 : index
    %get3A_14 = vector.load %arg2[%get3A_12, %get3A_13] : memref<1x128xf32, #tpu.memory_space<vmem>>, vector<1x128xf32>
    %add3A_15 = vector.broadcast %get3A_14 : vector<1x128xf32> to vector<5000x128xf32>
    %add3A_16 = arith.addf %sub3A, %add3A_15 : vector<5000x128xf32>
    %max3A = arith.constant 0.000000e+00 : f32
    %max3A_17 = vector.broadcast %max3A : f32 to vector<5000x128xf32>
    %max3A_18 = arith.maximumf %add3A_16, %max3A_17 : vector<5000x128xf32>
    %get3A_19 = arith.constant 0 : index
    %get3A_20 = arith.constant 0 : index
    %get3A_21 = vector.load %arg3[%get3A_19, %get3A_20] : memref<128x128xf32, #tpu.memory_space<vmem>>, vector<128x128xf32>
    %dot_general3A = arith.constant dense<0.000000e+00> : vector<5000x128xf32>
    %dot_general3A_22 = tpu.matmul %max3A_18, %get3A_21, %dot_general3A {dimension_numbers = #tpu.dot_dimension_numbers<[1], [0], [0], [1], [0, 0, 1, 1], [], []>, transpose_lhs_hint = false} : vector<5000x128xf32>, vector<128x128xf32>, vector<5000x128xf32> -> vector<5000x128xf32>
    %get3A_23 = arith.constant 0 : index
    %get3A_24 = arith.constant 0 : index
    %get3A_25 = vector.load %arg4[%get3A_23, %get3A_24] : memref<1x128xf32, #tpu.memory_space<vmem>>, vector<1x128xf32>
    %add3A_26 = vector.broadcast %get3A_25 : vector<1x128xf32> to vector<5000x128xf32>
    %add3A_27 = arith.addf %dot_general3A_22, %add3A_26 : vector<5000x128xf32>
    %max3A_28 = arith.constant 0.000000e+00 : f32
    %max3A_29 = vector.broadcast %max3A_28 : f32 to vector<5000x128xf32>
    %max3A_30 = arith.maximumf %add3A_27, %max3A_29 : vector<5000x128xf32>
    %get3A_31 = arith.constant 0 : index
    %get3A_32 = arith.constant 0 : index
    %get3A_33 = vector.load %arg5[%get3A_31, %get3A_32] : memref<128x128xf32, #tpu.memory_space<vmem>>, vector<128x128xf32>
    %dot_general3A_34 = arith.constant dense<0.000000e+00> : vector<5000x128xf32>
    %dot_general3A_35 = tpu.matmul %max3A_30, %get3A_33, %dot_general3A_34 {dimension_numbers = #tpu.dot_dimension_numbers<[1], [0], [0], [1], [0, 0, 1, 1], [], []>, transpose_lhs_hint = false} : vector<5000x128xf32>, vector<128x128xf32>, vector<5000x128xf32> -> vector<5000x128xf32>
    %swap3A = arith.constant 0 : index
    %swap3A_36 = arith.constant 0 : index
    %swap3A_37 = vector.load %arg6[%swap3A, %swap3A_36] : memref<5000x128xf32, #tpu.memory_space<vmem>>, vector<5000x128xf32>
    tpu.vector_store %arg6[%swap3A, %swap3A_36], %dot_general3A_35 {strides = array<i32>} : memref<5000x128xf32, #tpu.memory_space<vmem>>, vector<5000x128xf32>,
    return
  }
}

module attributes {stable_mosaic.version = 14 : i64} {
  func.func @body(%arg0: memref<2x5000x128xf32, #tpu.memory_space<vmem>>, %arg1: memref<5000x128xf32, #tpu.memory_space<vmem>>, %arg2: memref<1x128xf32, #tpu.memory_space<vmem>>, %arg3: memref<64x128xf32, #tpu.memory_space<vmem>>, %arg4: memref<1x128xf32, #tpu.memory_space<vmem>>, %arg5: memref<10000x128xf32, #tpu.memory_space<vmem>>) attributes {dimension_semantics = [], scalar_prefetch = 0 : i64, scratch_operands = 0 : i64, tpu.core_type = #tpu.core_type<tc>} {
    %get3A = arith.constant 0 : index
    %get3A_0 = arith.constant 0 : index
    %get3A_1 = arith.constant 0 : index
    %get3A_2 = vector.load %arg0[%get3A, %get3A_0, %get3A_1] : memref<2x5000x128xf32, #tpu.memory_space<vmem>>, vector<1x5000x128xf32>
    %get3A_3 = vector.shape_cast %get3A_2 : vector<1x5000x128xf32> to vector<5000x128xf32>
    %get3A_4 = arith.constant 1 : index
    %get3A_5 = arith.constant 0 : index
    %get3A_6 = arith.constant 0 : index
    %get3A_7 = vector.load %arg0[%get3A_4, %get3A_5, %get3A_6] : memref<2x5000x128xf32, #tpu.memory_space<vmem>>, vector<1x5000x128xf32>
    %get3A_8 = vector.shape_cast %get3A_7 : vector<1x5000x128xf32> to vector<5000x128xf32>
    %add3A = arith.addf %get3A_3, %get3A_8 : vector<5000x128xf32>
    %get3A_9 = arith.constant 0 : index
    %get3A_10 = arith.constant 0 : index
    %get3A_11 = vector.load %arg1[%get3A_9, %get3A_10] : memref<5000x128xf32, #tpu.memory_space<vmem>>, vector<5000x128xf32>
    %sub3A = arith.subf %add3A, %get3A_11 : vector<5000x128xf32>
    %get3A_12 = arith.constant 0 : index
    %get3A_13 = arith.constant 0 : index
    %get3A_14 = vector.load %arg2[%get3A_12, %get3A_13] : memref<1x128xf32, #tpu.memory_space<vmem>>, vector<1x128xf32>
    %add3A_15 = vector.broadcast %get3A_14 : vector<1x128xf32> to vector<5000x128xf32>
    %add3A_16 = arith.addf %sub3A, %add3A_15 : vector<5000x128xf32>
    %max3A = arith.constant 0.000000e+00 : f32
    %max3A_17 = vector.broadcast %max3A : f32 to vector<5000x128xf32>
    %max3A_18 = arith.maximumf %add3A_16, %max3A_17 : vector<5000x128xf32>
    %slice3A = vector.extract_strided_slice %max3A_18 {offsets = [0, 0], sizes = [5000, 64], strides = [1, 1]} : vector<5000x128xf32> to vector<5000x64xf32>
    %get3A_19 = arith.constant 0 : index
    %get3A_20 = arith.constant 0 : index
    %get3A_21 = vector.load %arg3[%get3A_19, %get3A_20] : memref<64x128xf32, #tpu.memory_space<vmem>>, vector<64x128xf32>
    %dot_general3A = arith.constant dense<0.000000e+00> : vector<5000x128xf32>
    %dot_general3A_22 = tpu.matmul %slice3A, %get3A_21, %dot_general3A {dimension_numbers = #tpu.dot_dimension_numbers<[1], [0], [0], [1], [0, 0, 1, 1], [], []>, transpose_lhs_hint = false} : vector<5000x64xf32>, vector<64x128xf32>, vector<5000x128xf32> -> vector<5000x128xf32>
    %get3A_23 = arith.constant 0 : index
    %get3A_24 = arith.constant 0 : index
    %get3A_25 = vector.load %arg4[%get3A_23, %get3A_24] : memref<1x128xf32, #tpu.memory_space<vmem>>, vector<1x128xf32>
    %add3A_26 = vector.broadcast %get3A_25 : vector<1x128xf32> to vector<5000x128xf32>
    %add3A_27 = arith.addf %dot_general3A_22, %add3A_26 : vector<5000x128xf32>
    %swap3A = arith.constant 0 : index
    %swap3A_28 = arith.constant 0 : index
    %swap3A_29 = vector.load %arg5[%swap3A, %swap3A_28] : memref<10000x128xf32, #tpu.memory_space<vmem>>, vector<5000x128xf32>
    tpu.vector_store %arg5[%swap3A, %swap3A_28], %add3A_27 {strides = array<i32>} : memref<10000x128xf32, #tpu.memory_space<vmem>>, vector<5000x128xf32>,
    %slice3A_30 = vector.extract_strided_slice %max3A_18 {offsets = [0, 64], sizes = [5000, 64], strides = [1, 1]} : vector<5000x128xf32> to vector<5000x64xf32>
    %get3A_31 = arith.constant 0 : index
    %get3A_32 = arith.constant 0 : index
    %get3A_33 = vector.load %arg3[%get3A_31, %get3A_32] : memref<64x128xf32, #tpu.memory_space<vmem>>, vector<64x128xf32>
    %dot_general3A_34 = arith.constant dense<0.000000e+00> : vector<5000x128xf32>
    %dot_general3A_35 = tpu.matmul %slice3A_30, %get3A_33, %dot_general3A_34 {dimension_numbers = #tpu.dot_dimension_numbers<[1], [0], [0], [1], [0, 0, 1, 1], [], []>, transpose_lhs_hint = false} : vector<5000x64xf32>, vector<64x128xf32>, vector<5000x128xf32> -> vector<5000x128xf32>
    %get3A_36 = arith.constant 0 : index
    %get3A_37 = arith.constant 0 : index
    %get3A_38 = vector.load %arg4[%get3A_36, %get3A_37] : memref<1x128xf32, #tpu.memory_space<vmem>>, vector<1x128xf32>
    %add3A_39 = vector.broadcast %get3A_38 : vector<1x128xf32> to vector<5000x128xf32>
    %add3A_40 = arith.addf %dot_general3A_35, %add3A_39 : vector<5000x128xf32>
    %swap3A_41 = arith.constant 5000 : index
    %swap3A_42 = arith.constant 0 : index
    %swap3A_43 = vector.load %arg5[%swap3A_41, %swap3A_42] : memref<10000x128xf32, #tpu.memory_space<vmem>>, vector<5000x128xf32>
    tpu.vector_store %arg5[%swap3A_41, %swap3A_42], %add3A_40 {strides = array<i32>} : memref<10000x128xf32, #tpu.memory_space<vmem>>, vector<5000x128xf32>,
    return
  }
}

</mosaic_0001>

<sc_bundles>
// kernel: kernel.11.cloned.1.call-start
scs
__scs_entry_jumppad:
0x0: {  	(pc) =	sbr.rel $0x88, $3  }
0x1: {  	(tag) =	ssettag $0x0;
	lr =	simm.s32 $0x1  }
0x2: {  	[smem:$0x3F97] =	sst lr;
	_ =	strace $0xD0000000  }
0x3: {  	_ = 	snop  }
0x4: {  	_ = 	snop  }
0x5: {  	_ = 	snop  }
0x6: {  	_ = 	snop  }
0x7: {  	_ = 	snop  }
__scs_overlays_trampoline_lowered:
0x8: {  	[smem:$0x3FA6] =	sst s0  }
0x9: {  	[smem:$0x3FA7] =	sst s1  }
0xa: {  	[smem:$0x3FA8] =	sst s2  }
0xb: {  	[smem:$0x3FA9] =	sst s3  }
0xc: {  	[smem:$0x3FAA] =	sst s4  }
0xd: {  	[smem:$0x3FAB] =	sst s5  }
0xe: {  	[smem:$0x3FAC] =	sst s6  }
0xf: {  	[smem:$0x3FAD] =	sst s7  }
0x10: {  	[smem:$0x3FAE] =	sst s8  }
0x11: {  	[smem:$0x3FAF] =	sst s9;
	s0 =	simm.s32 @!p0 $0x0  }
0x12: {  	s1 =	sld [smem:$0x3F95];
	s0 =	simm.s32 @p0 $0x1  }
0x13: {  	[smem:$0x3FB0] =	sst s0;
	s0 =	simm.s32 @!p1 $0x0  }
0x14: {  	s2 =	sld [smem:$0x3F94];
	s0 =	simm.s32 @p1 $0x1  }
0x15: {  	[smem:$0x3FB1] =	sst s0;
	s0 =	simm.s32 @!p2 $0x0  }
0x16: {  	s3 =	sld [smem:$0x3FDB];
	s0 =	simm.s32 @p2 $0x1  }
0x17: {  	s4 =	simm.s32 $0x1BF5;
	[smem:$0x3FB3] =	sst s0  }
0x18: {  	s0 =	sld [smem:$0x3F96];
	_ =	swait.ge [sflag:s4], $0x0  }
0x19: {  	s7 =	sld [smem:$0x3F97]  }
0x1a: {  	s8 =	sadd.s32 $0xFFFFE003, lr  }
0x1b: {  	s9 =	sadd.s32 $0xFFFFFEF7, lr;
	s5 =	simm.s32 $0xFFFFFFFF;
	p2 =	slt.u32 s8, $0xFFFFF086  }
0x1c: {  	p1 =	slt.u32 s9, $0xF7A;
	s5 =	simm.s32 @!p2 $0x0  }
0x1d: {  	s5 =	simm.s32 @p1 $0x1;
	p0 =	seq.s32 s7, s2  }
0x1e: {  	s7 =	smul.u32 @!p0 $0xF7A, s2;
	p2 =	seq.s32 @!p0 s5, $0x0  }
0x1f: {  	s9 =	smul.u32 $0xF7A, s1;
	s8 =	simm.s32 @!p0 $0x1BF5;
	p2 =	por !p2, p0  }
0x20: {  	[sflag:s8] =	ssyncset.s32 @!p0 $0xFFFFF086;
	s6 =	sadd.s32 @!p0 s3, s7;
	s7 =	simm.s32 @!p0 $0x108  }
0x21: {  	s3 =	sadd.s32 s3, s9;
	s6 =	sadd.s32 @!p0 $0x88, s6;
	s7 =	simm.s32 @p2 $0x1082  }
0x22: {  	[simem:s7], [sflag:s8] =	dma.local @!p0 [hbm:s6], $0xF7A  }
0x23: {  	s9 =	sor.u32 $0xD0000000, s2;
	s6 =	simm.s32 $0x108;
	_ =	swait.ge @!p0 [sflag:s8], $0x0  }
0x24: {  	s3 =	sadd.s32 $0x88, s3;
	s6 =	simm.s32 @!p1 $0x1082;
	[sflag:s4] =	ssyncset.s32 $0xFFFFF086  }
0x25: {  	[simem:s6], [sflag:s4] =	dma.local [hbm:s3], $0xF7A  }
0x26: {  	[smem:$0x3F97] =	sst s1;
	(tag) =	ssettag s2;
	_ =	strace s9  }
0x27: {  	s1 =	sld [smem:$0x3FA7]  }
0x28: {  	s2 =	sld [smem:$0x3FA8]  }
0x29: {  	s4 =	sld [smem:$0x3FAA]  }
0x2a: {  	p0 =	seq.s32 s5, $0x0;
	s5 =	sld [smem:$0x3FAB]  }
0x2b: {  	s6 =	sld [smem:$0x3FAC]  }
0x2c: {  	s7 =	sld [smem:$0x3FAD]  }
0x2d: {  	s3 =	simm.s32 $0x108;
	s8 =	sld [smem:$0x3FAE]  }
0x2e: {  	s3 =	simm.s32 @!p0 $0x1082;
	s9 =	sld [smem:$0x3FAF]  }
0x2f: {  	lr =	sadd.s32 s0, s3;
	s0 =	sld [smem:$0x3FA6]  }
0x30: {  	s3 =	sld [smem:$0x3FA9]  }
0x31: {  	[smem:$0x3FB2] =	sst s10  }
0x32: {  	s10 =	sld [smem:$0x3FB0];
	_ =	sdelay $0x3  }
0x33: {  	p0 =	seq.s32 s10, $0x1;
	s10 =	sld [smem:$0x3FB2];
	_ =	sdelay $0x3  }
0x34: {  	[smem:$0x3FB2] =	sst s10  }
0x35: {  	s10 =	sld [smem:$0x3FB1];
	_ =	sdelay $0x3  }
0x36: {  	p1 =	seq.s32 s10, $0x1;
	s10 =	sld [smem:$0x3FB2];
	_ =	sdelay $0x3  }
0x37: {  	[smem:$0x3FB2] =	sst s10  }
0x38: {  	s10 =	sld [smem:$0x3FB3]  }
0x39: {  	_ = 	snop;
	(pc) =	sbr.ind lr, $3  }
0x3a: {  	_ = 	snop  }
0x3b: {  	_ = 	snop  }
0x3c: {  	p2 =	seq.s32 s10, $0x1;
	s10 =	sld [smem:$0x3FB2]  }
0x3d: {  	_ =	shalt  }
0x3e: {  	_ =	shalt  }
0x3f: {  	_ =	shalt  }
0x40: {  	_ =	shalt  }
0x41: {  	_ =	shalt  }
0x42: {  	_ =	shalt  }
0x43: {  	_ =	shalt  }
0x44: {  	_ =	shalt  }
0x45: {  	_ =	shalt  }
0x46: {  	_ =	shalt  }
0x47: {  	_ =	shalt  }
0x48: {  	_ =	shalt  }
0x49: {  	_ =	shalt  }
0x4a: {  	_ =	shalt  }
0x4b: {  	_ =	shalt  }
0x4c: {  	_ =	shalt  }
0x4d: {  	_ =	shalt  }
0x4e: {  	_ =	shalt  }
0x4f: {  	_ =	shalt  }
0x50: {  	_ =	shalt  }
0x51: {  	_ =	shalt  }
0x52: {  	_ =	shalt  }
0x53: {  	_ =	shalt  }
0x54: {  	_ =	shalt  }
0x55: {  	_ =	shalt  }
0x56: {  	_ =	shalt  }
0x57: {  	_ =	shalt  }
0x58: {  	_ =	shalt  }
0x59: {  	_ =	shalt  }
0x5a: {  	_ =	shalt  }
0x5b: {  	_ =	shalt  }
0x5c: {  	_ =	shalt  }
0x5d: {  	_ =	shalt  }
0x5e: {  	_ =	shalt  }
0x5f: {  	_ =	shalt  }
0x60: {  	_ =	shalt  }
0x61: {  	_ =	shalt  }
0x62: {  	_ =	shalt  }
0x63: {  	_ =	shalt  }
0x64: {  	_ =	shalt  }
0x65: {  	_ =	shalt  }
0x66: {  	_ =	shalt  }
0x67: {  	_ =	shalt  }
0x68: {  	_ =	shalt  }
0x69: {  	_ =	shalt  }
0x6a: {  	_ =	shalt  }
0x6b: {  	_ =	shalt  }
0x6c: {  	_ =	shalt  }
0x6d: {  	_ =	shalt  }
0x6e: {  	_ =	shalt  }
0x6f: {  	_ =	shalt  }
0x70: {  	_ =	shalt  }
0x71: {  	_ =	shalt  }
0x72: {  	_ =	shalt  }
0x73: {  	_ =	shalt  }
0x74: {  	_ =	shalt  }
0x75: {  	_ =	shalt  }
0x76: {  	_ =	shalt  }
0x77: {  	_ =	shalt  }
0x78: {  	_ =	shalt  }
0x79: {  	_ =	shalt  }
0x7a: {  	_ =	shalt  }
0x7b: {  	_ =	shalt  }
0x7c: {  	_ =	shalt  }
0x7d: {  	_ =	shalt  }
0x7e: {  	_ =	shalt  }
0x7f: {  	_ =	shalt  }
0x80: {  	_ =	shalt  }
0x81: {  	_ =	shalt  }
0x82: {  	_ =	shalt  }
0x83: {  	_ =	shalt  }
0x84: {  	_ =	shalt  }
0x85: {  	_ =	shalt  }
0x86: {  	_ =	shalt  }
0x87: {  	_ =	shalt  }
.Lfunc_end0:
.L_simem_size_0:
called_computation.1_lowered:
.L_overlay_start_0:
0x88: {  	s2 =	sld [smem:$0x3FD9]  }
0x89: {  	s3 =	sld [smem:$0x3FFE];
	_ =	sdelay $0x1  }
0x8a: {  	s1 =	srdreg.scid  }
0x8b: {  	s0 =	sand.u32 $0x1, s1  }
0x8c: {  	s17 =	sshll.u32 s0, $0xA;
	s2 =	sadd.s32 s3, s2  }
0x8d: {  	s2 =	sadd.s32 s2, s17  }
0x8e: {  	[smem:$0x3FBE] =	sst s2  }
0x8f: {  	_ = 	snop  }
0x90: {  	s2 =	sld [smem:$0x3FD0];
	(tm) =	ssettm $0x1  }
0x91: {  	s18 =	sld [smem:$0x3FFB];
	_ =	sdelay $0x3  }
0x92: {  	_ =	strace s18  }
0x93: {  	s3 =	sld [smem:$0x3FFC];
	_ =	sdelay $0x3  }
0x94: {  	_ =	strace s3  }
0x95: {  	s3 =	sld [smem:$0x3FFD];
	_ =	sdelay $0x3  }
0x96: {  	_ =	strace s3  }
0x97: {  	_ =	strace $0x8FFFFFFF  }
0x98: {  	s19 =	sld [smem:$0x3FDB];
	_ =	sdelay $0x1  }
0x99: {  	s4 =	simm.s32 $_scs_section_size  }
0x9a: {  	s5 =	simm.s32 $_size__tile_overlayer_lowered;
	s6 =	simm.s32 $_tile_overlayer_lowered  }
0x9b: {  	s22 =	simm.s32 $0x1BFF;
	s21 =	sshll.u32 s6, $0x1;
	s3 =	sadd.s32 s4, s19  }
0x9c: {  	s7 =	simm.s32 $0x0;
	s20 =	sshll.u32 s5, $0x1;
	s5 =	sadd.s32 s21, s3  }
0x9d: {  	[timem:s7], [sflag:s22] =	dma.local [hbm:s5], s20  }
0x9e: {  	_ =	swait.ge [sflag:s22], s20  }
0x9f: {  	s4 =	ssub.s32 $0x0, s20;
	[sflag:s22] =	ssyncset.done $0x0  }
0xa0: {  	[sflag:s22] =	ssyncadd.s32 s4;
	_ =	sdelay $0x1  }
0xa1: {  	s23 =	simm.s32 $0x1B8B  }
0xa2: {  	_ =	swait.ge [sflag:s23], $0x1  }
0xa3: {  	[sflag:s23] =	ssyncset.done $0x0  }
0xa4: {  	s25 =	simm.s32 $0x1B8E;
	s24 =	sld [smem:$0x3FFE];
	[sflag:s23] =	ssyncadd.s32 $0xFFFFFFFF  }
0xa5: {  	s26 =	simm.s32 $execute0_lowered;
	[smem:$0x3FD2] =	sst s25  }
0xa6: {  	s5 =	sshll.u32 s26, $0x1;
	_ =	strace $0x80000049;
	[dreg:$0x1] =	wrdreg $0xFFFFFFFF  }
0xa7: {  	s28 =	simm.s32 $_size_execute0_lowered;
	s3 =	sadd.s32 s3, s5;
	[dreg:$0x0] =	wrdreg $0x0  }
0xa8: {  	s5 =	sshll.u32 s28, $0x1;
	[dreg:$0x2] =	wrdreg s3  }
0xa9: {  	[dreg:$0x3] =	wrdreg s5  }
0xaa: {  	[dreg:$0x4] =	wrdreg $0xC0  }
0xab: {  	_ =	task [dreg:s7], $0x5FFFF  }
0xac: {  	[dreg:$0x1] =	wrdreg $0xFFFFFFFF  }
0xad: {  	[dreg:$0x0] =	wrdreg $0x60  }
0xae: {  	[dreg:$0x2] =	wrdreg s24  }
0xaf: {  	[dreg:$0x3] =	wrdreg s2  }
0xb0: {  	[dreg:$0x4] =	wrdreg $0x160000  }
0xb1: {  	[dreg:$0x5] =	wrdreg $0x9  }
0xb2: {  	_ =	task.clear_ibuf [dreg:s7], $0x6FFFF;
	_ =	strace $0x90000049  }
0xb3: {  	s29 =	simm.s32 $0x9;
	_ =	strace $0x8000004B  }
0xb4: {  	_ =	swait.ge [sflag:s29], $0x1  }
0xb5: {  	[sflag:s29] =	ssyncadd.s32 $0xFFFFFFFF  }
0xb6: {  	_ =	strace $0x9000004B  }
0xb7: {  	_ =	sfence  }
0xb8: {  	s30 =	sld [smem:$0x0];
	_ =	sdelay $0x2  }
0xb9: {  	s31 =	sshll.u32 s1, $0xD;
	s1 =	sshrl.u32 s1, $0x2  }
0xba: {  	s3 =	sand.u32 $0x4000, s31;
	s1 =	sadd.s32 s1, s30  }
0xbb: {  	s0 =	sor.u32 s3, s0;
	s1 =	sshll.u32 s1, $0x11  }
0xbc: {  	s0 =	sor.u32 s1, s0  }
0xbd: {  	s0 =	sadd.s32 $0x8F2B, s0  }
0xbe: {  	[sflag:s0] =	ssyncadd.remote.s32 $0x1  }
0xbf: {  	_ =	sfence.sel $0xFFFF  }
0xc0: {  	[dreg:$0x0] =	wrdreg $0xFFFFFFFF;
	(pc) =	sbr.abs _section_cstart, $3  }
0xc1: {  	[dreg:$0x1] =	wrdreg $0xFFFFFFFF  }
0xc2: {  	_ =	task.clear_ibuf [dreg:s7], $0x2FFFF;
	_ =	strace $0x9FFFFFFF  }
0xc3: {  	(tm) =	ssettm $0x7FFFFFFF  }
tec
execute0_lowered:
.L_overlay_start_1:
0x0: {  	(tag) =	ssettag $0x1  }
0x1: {  	s0 =	srdreg.scid;
	s1 =	rddreg [dreg:$0x0]  }
0x2: {  	s23 =	stileid.u32;
	s13 =	rddreg [dreg:$0x1];
	s3 =	simm.s32 $0x0  }
0x3: {  	s28 =	simm.s32 $0x1;
	s29 =	simm.s32 $0x3;
	s30 =	simm.s32 $0x2  }
0x4: {  	s31 =	simm.s32 $0x4;
	s0 =	sand.u32 $0x1, s0;
	s2 =	sshll.u32 s23, $0x1  }
0x5: {  	[smem:$0x7FF] =	sst s3;
	s24 =	sadd.s32 $0x16600, s1;
	s11 =	smul.u32 $0xFA00, s23  }
0x6: {  	s9 =	sadd.s32 $0x16240, s1;
	s10 =	sadd.s32 $0x169C0, s1;
	p0 =	sgt.u32 s23, $0x9  }
0x7: {  	s22 =	sor.u32 s0, s2;
	s2 =	rddreg [dreg:$0x2];
	_ =	strace $0x8000004A  }
0x8: {  	s6 =	ssub.s32 $0x2, s0;
	[dreg:$0x4] =	wrdreg s24;
	s12 =	smul.u32 $0x9C400, s0  }
0x9: {  	s24 =	simm.s32 $0x200;
	s4 =	smul.u32 $0x2800, s22;
	s8 =	sshrl.u32 s6, $0x1  }
0xa: {  	s15 =	sshrl.u32 s11, $0x3;
	p1 =	seq.s32 s22, $0x1F;
	s14 =	ssub.s32 s6, s8  }
0xb: {  	s8 =	sadd.s32 $0xC600, s1;
	s16 =	sadd.s32 s11, s12;
	s12 =	sshll.u32 s0, $0xB  }
0xc: {  	s0 =	sshll.u32 @!p0 s23, $0x6;
	s4 =	sand.u32 $0x7F000, s4;
	s26 =	sshrl.u32 s16, $0x3  }
0xd: {  	s14 =	smax.u32 s14, $0x1;
	s16 =	sor.u32 $0x3000, s12;
	s17 =	sor.u32 $0x400, s12  }
0xe: {  	s18 =	sor.u32 $0x3200, s12;
	s19 =	sor.u32 $0x2600, s12;
	s20 =	sor.u32 $0x5400, s12  }
0xf: {  	s21 =	sor.u32 $0x5600, s12;
	s22 =	sor.u32 @!p0 $0x1C05, s0;
	s5 =	sshrl.u32 s4, $0x3  }
0x10: {  	s4 =	sadd.s32 $0x16E00, s1;
	s13 =	sadd.s32 s13, s26;
	s26 =	simm.s32 $0xE000  }
0x11: {  	s7 =	sadd.s32 s5, s1;
	s1 =	sadd.s32 s11, s2;
	s11 =	sadd.s32 s4, s15  }
0x12: {  	s15 =	sor.u32 $0x200, s12;
	s25 =	sadd.s32 $0x2C00, s7;
	s7 =	sadd.s32 $0xC840, s7  }
0x13: {  	s23 =	sshrl.u32 @!p0 s1, $0x3;
	[dreg:$0x5] =	wrdreg s25;
	s25 =	simm.s32 $0x6000  }
.LBB2_1:
0x14: {  	s0 =	simm.s32 @p1 $0x0;
	s1 =	simm.s32 @p1 $0x5  }
0x15: {  	[tilespmem:s0], [sflag:$0x5] =	stream.linear.gather @p1 [hbm4b:s8+s0], $0x1200, $0x38;
	[tilespmem:$0x1FC60] =	vst v63  }
0x16: {  	_ =	swait.ge @p1 [sflag:s1], $0x1200  }
0x17: {  	[sflag:s1] =	ssyncset.done @p1 $0x0  }
0x18: {  	s5 =	simm.s32 @p1 $0x3000;
	[sflag:s1] =	ssyncadd.s32 @p1 $0xFFFFEE00  }
0x19: {  	[tilespmem:s5], [sflag:$0x5] =	stream.linear.gather @p1 [hbm4b:s9+s0], $0x1200, $0x38;
	[tilespmem:$0x1FC60] =	vst v63  }
0x1a: {  	_ =	swait.ge @p1 [sflag:s1], $0x1200  }
0x1b: {  	[sflag:s1] =	ssyncset.done @p1 $0x0  }
0x1c: {  	s5 =	simm.s32 @p1 $0x1200;
	s6 =	rddreg [dreg:$0x4];
	[sflag:s1] =	ssyncadd.s32 @p1 $0xFFFFEE00  }
0x1d: {  	[tilespmem:s5], [sflag:$0x5] =	stream.linear.gather @p1 [hbm4b:s6+s0], $0x1E00, $0x38;
	[tilespmem:$0x1FC60] =	vst v63  }
0x1e: {  	_ =	swait.ge @p1 [sflag:s1], $0x1E00  }
0x1f: {  	[sflag:s1] =	ssyncset.done @p1 $0x0  }
0x20: {  	s5 =	simm.s32 @p1 $0x4200;
	[sflag:s1] =	ssyncadd.s32 @p1 $0xFFFFE200  }
0x21: {  	[tilespmem:s5], [sflag:$0x5] =	stream.linear.gather @p1 [hbm4b:s10+s0], $0x1E00, $0x38;
	[tilespmem:$0x1FC60] =	vst v63  }
0x22: {  	_ =	swait.ge @p1 [sflag:s1], $0x1E00  }
0x23: {  	[sflag:s1] =	ssyncset.done @p1 $0x0  }
0x24: {  	s0 =	simm.s32 @!p1 $0x0;
	[sflag:s1] =	ssyncadd.s32 @p1 $0xFFFFE200;
	s1 =	rddreg [dreg:$0x5]  }
0x25: {  	[tilespmem:s0], [sflag:$0x5] =	stream.linear.gather @!p1 [hbm4b:s1+s0], $0x3000, $0x38;
	[tilespmem:$0x1FC60] =	vst v63  }
0x26: {  	s1 =	simm.s32 @!p1 $0x5  }
0x27: {  	_ =	swait.ge @!p1 [sflag:s1], $0x3000  }
0x28: {  	[sflag:s1] =	ssyncset.done @!p1 $0x0  }
0x29: {  	s5 =	simm.s32 @!p1 $0x3000;
	[sflag:s1] =	ssyncadd.s32 @!p1 $0xFFFFD000  }
0x2a: {  	[tilespmem:s5], [sflag:$0x5] =	stream.linear.gather @!p1 [hbm4b:s7+s0], $0x3000, $0x38;
	[tilespmem:$0x1FC60] =	vst v63  }
0x2b: {  	_ =	swait.ge @!p1 [sflag:s1], $0x3000  }
0x2c: {  	[sflag:s1] =	ssyncset.done @!p1 $0x0  }
0x2d: {  	s0 =	simm.s32 @!p0 $0x5;
	[sflag:s1] =	ssyncadd.s32 @!p1 $0xFFFFD000  }
0x2e: {  	[spmem:s23], [sflag:s22] =	dma.local @!p0 [hbm:s11], $0x1F40  }
0x2f: {  	_ =	swait.ge @!p0 [sflag:s0], $0x1F40  }
0x30: {  	[sflag:s0] =	ssyncset.done @!p0 $0x0  }
0x31: {  	[sflag:s0] =	ssyncadd.s32 @!p0 $0xFFFFE0C0  }
0x32: {  	[bflag:$0x0] =	sbarrier.arrive $0xFFFF  }
0x33: {  	[tilespmem:s25], [sflag:$0x1] =	stream.indirect.gather [hbm4b:s4+s24], $0x40, s12, s24, $0xb8;
	[tilespmem:$0x1FC60] =	vst v63  }
0x34: {  	_ = 	snop  }
0x35: {  	[tilespmem:s26], [sflag:$0x2] =	stream.indirect.gather [hbm4b:s4+s24], $0x40, s15, s24, $0xb8;
	[tilespmem:$0x1FC60] =	vst v63  }
0x36: {  	_ =	swait.ge [sflag:s28], $0x8000  }
0x37: {  	[sflag:s28] =	ssyncset.done $0x0  }
0x38: {  	[sflag:s28] =	ssyncadd.s32 $0xFFFF8000  }
0x39: {  	[spmem:s2] =	stream.indirect.scatter.add.f32 [tilespmem:s25], [sflag:$0x3], $0x40, s16, s24, $0xb8;
	[tilespmem:$0x1FC60] =	vst v63  }
0x3a: {  	_ =	swait.ge [sflag:s29], $0x8000  }
0x3b: {  	[sflag:s29] =	ssyncset.done $0x0  }
0x3c: {  	[sflag:s29] =	ssyncadd.s32 $0xFFFF8000  }
0x3d: {  	[tilespmem:s25], [sflag:$0x1] =	stream.indirect.gather [hbm4b:s4+s24], $0x40, s17, s24, $0xb8;
	[tilespmem:$0x1FC60] =	vst v63  }
0x3e: {  	_ =	swait.ge [sflag:s30], $0x8000  }
0x3f: {  	[sflag:s30] =	ssyncset.done $0x0  }
0x40: {  	[sflag:s30] =	ssyncadd.s32 $0xFFFF8000  }
0x41: {  	[spmem:s2] =	stream.indirect.scatter.add.f32 [tilespmem:s26], [sflag:$0x4], $0x40, s18, s24, $0xb8;
	[tilespmem:$0x1FC60] =	vst v63  }
0x42: {  	_ =	swait.ge [sflag:s31], $0x8000  }
0x43: {  	s0 =	sadd.s32 $0xFFFFE000, s12;
	[sflag:s31] =	ssyncset.done $0x0  }
0x44: {  	s5 =	sadd.s32 $0x2600, s0;
	[sflag:s31] =	ssyncadd.s32 $0xFFFF8000  }
0x45: {  	[tilespmem:s26], [sflag:$0x2] =	stream.indirect.gather [hbm4b:s4+s24], $0x40, s5, s24, $0xb8;
	[tilespmem:$0x1FC60] =	vst v63  }
0x46: {  	_ =	swait.ge [sflag:s28], $0x8000  }
0x47: {  	s5 =	sadd.s32 $0xFFFFE000, s16;
	[sflag:s28] =	ssyncset.done $0x0  }
0x48: {  	s6 =	sadd.s32 $0x2400, s5;
	[sflag:s28] =	ssyncadd.s32 $0xFFFF8000  }
0x49: {  	[spmem:s2] =	stream.indirect.scatter.add.f32 [tilespmem:s25], [sflag:$0x3], $0x40, s6, s24, $0xb8;
	[tilespmem:$0x1FC60] =	vst v63  }
0x4a: {  	_ =	swait.ge [sflag:s29], $0x8000  }
0x4b: {  	[sflag:s29] =	ssyncset.done $0x0  }
0x4c: {  	s0 =	sadd.s32 $0x2800, s0;
	[sflag:s29] =	ssyncadd.s32 $0xFFFF8000  }
0x4d: {  	[tilespmem:s25], [sflag:$0x1] =	stream.indirect.gather [hbm4b:s4+s24], $0x40, s0, s24, $0xb8;
	[tilespmem:$0x1FC60] =	vst v63  }
0x4e: {  	_ =	swait.ge [sflag:s30], $0x8000  }
0x4f: {  	[sflag:s30] =	ssyncset.done $0x0  }
0x50: {  	s1 =	simm.s32 $0xFFFF9000;
	s0 =	sadd.s32 $0x2600, s5;
	[sflag:s30] =	ssyncadd.s32 $0xFFFF8000  }
.LBB2_2:
0x51: {  	[spmem:s2] =	stream.indirect.scatter.add.f32 [tilespmem:s26], [sflag:$0x4], $0x40, s0, s24, $0xb8;
	[tilespmem:$0x1FC60] =	vst v63  }
0x52: {  	s0 =	sshra.s32 s1, $0x2;
	p2 =	sne.s32 s1, $0xFFFFF000;
	_ =	swait.ge [sflag:s31], $0x8000  }
0x53: {  	s5 =	sadd.s32 s0, s12;
	s0 =	sadd.s32 s0, s16;
	[sflag:s31] =	ssyncset.done $0x0  }
0x54: {  	s1 =	sadd.s32 $0x1000, s1;
	s6 =	sadd.s32 $0x2600, s5;
	[sflag:s31] =	ssyncadd.s32 $0xFFFF8000  }
0x55: {  	[tilespmem:s26], [sflag:$0x2] =	stream.indirect.gather [hbm4b:s4+s24], $0x40, s6, s24, $0xb8;
	[tilespmem:$0x1FC60] =	vst v63  }
0x56: {  	_ =	swait.ge [sflag:s28], $0x8000  }
0x57: {  	[sflag:s28] =	ssyncset.done $0x0  }
0x58: {  	s6 =	sadd.s32 $0x2400, s0;
	[sflag:s28] =	ssyncadd.s32 $0xFFFF8000  }
0x59: {  	[spmem:s2] =	stream.indirect.scatter.add.f32 [tilespmem:s25], [sflag:$0x3], $0x40, s6, s24, $0xb8;
	[tilespmem:$0x1FC60] =	vst v63  }
0x5a: {  	_ =	swait.ge [sflag:s29], $0x8000  }
0x5b: {  	[sflag:s29] =	ssyncset.done $0x0  }
.Ltmp0:
0x5c: {  	s5 =	sadd.s32 $0x2800, s5;
	[sflag:s29] =	ssyncadd.s32 $0xFFFF8000;
	(pc) =	sbr.rel @p2 .LBB2_2-.Ltmp0, $4  }
0x5d: {  	[tilespmem:s25], [sflag:$0x1] =	stream.indirect.gather [hbm4b:s4+s24], $0x40, s5, s24, $0xb8;
	[tilespmem:$0x1FC60] =	vst v63  }
0x5e: {  	_ =	swait.ge [sflag:s30], $0x8000  }
0x5f: {  	[sflag:s30] =	ssyncset.done $0x0  }
0x60: {  	s0 =	sadd.s32 $0x2600, s0;
	[sflag:s30] =	ssyncadd.s32 $0xFFFF8000  }
0x61: {  	[spmem:s2] =	stream.indirect.scatter.add.f32 [tilespmem:s26], [sflag:$0x4], $0x40, s0, s24, $0xb8;
	[tilespmem:$0x1FC60] =	vst v63  }
0x62: {  	_ =	swait.ge [sflag:s31], $0x8000  }
0x63: {  	[sflag:s31] =	ssyncset.done $0x0  }
0x64: {  	[sflag:s31] =	ssyncadd.s32 $0xFFFF8000  }
0x65: {  	[tilespmem:s26], [sflag:$0x2] =	stream.indirect.gather [hbm4b:s4+s24], $0x40, s19, s24, $0xb8;
	[tilespmem:$0x1FC60] =	vst v63  }
0x66: {  	_ =	swait.ge [sflag:s28], $0x8000  }
0x67: {  	[sflag:s28] =	ssyncset.done $0x0  }
0x68: {  	[sflag:s28] =	ssyncadd.s32 $0xFFFF8000  }
0x69: {  	[spmem:s2] =	stream.indirect.scatter.add.f32 [tilespmem:s25], [sflag:$0x3], $0x40, s20, s24, $0xb8;
	[tilespmem:$0x1FC60] =	vst v63  }
0x6a: {  	_ =	swait.ge [sflag:s29], $0x8000  }
0x6b: {  	[sflag:s29] =	ssyncset.done $0x0  }
0x6c: {  	[sflag:s29] =	ssyncadd.s32 $0xFFFF8000  }
0x6d: {  	_ =	swait.ge [sflag:s30], $0x8000  }
0x6e: {  	[sflag:s30] =	ssyncset.done $0x0  }
0x6f: {  	[sflag:s30] =	ssyncadd.s32 $0xFFFF8000  }
0x70: {  	[spmem:s2] =	stream.indirect.scatter.add.f32 [tilespmem:s26], [sflag:$0x4], $0x40, s21, s24, $0xb8;
	[tilespmem:$0x1FC60] =	vst v63  }
0x71: {  	_ =	swait.ge [sflag:s31], $0x8000  }
0x72: {  	s3 =	sadd.s32 $0x1, s3;
	[sflag:s31] =	ssyncset.done $0x0  }
0x73: {  	p2 =	sne.s32 s3, s14;
	[sflag:s31] =	ssyncadd.s32 $0xFFFF8000  }
.Ltmp1:
0x74: {  	s0 =	simm.s32 @!p0 $0x5;
	[bflag:$0x0] =	sbarrier.arrive $0xFFFF;
	(pc) =	sbr.rel @p2 .LBB2_1-.Ltmp1, $4  }
0x75: {  	[hbm:s13], [sflag:s22] =	dma.local @!p0 [spmem:s23], $0x1F40  }
0x76: {  	_ =	swait.ge @!p0 [sflag:s0], $0x1F40  }
0x77: {  	[sflag:s0] =	ssyncset.done @!p0 $0x0  }
0x78: {  	[sflag:s0] =	ssyncadd.s32 @!p0 $0xFFFFE0C0  }
0x79: {  	_ =	sfence.sel $0x180000  }
0x7a: {  	[bflag:$0x0] =	sbarrier.arrive $0xFFFF  }
0x7b: {  	_ =	strace $0x9000004A  }
0x7c: {  	s0 =	stileid.u32;
	[bflag:$0x2] =	sbarrier.arrive $0xFFFF  }
0x7d: {  	p0 =	sne.s32 s0, $0x0;
	s0 =	rddreg [dreg:$0x3]  }
0x7e: {  	s0 =	sadd.s32 @!p0 $0x100000, s0  }
0x7f: {  	[sflag:s0] =	ssyncadd.tile.s32 @!p0 $0x1;
	_ =	shalt  }
.Lfunc_end2:
_tile_overlayer_lowered:
.L_overlay_start_2:
0x80: {  	(tag) =	ssettag $0x2  }
0x81: {  	s0 =	rddreg [dreg:$0x0];
	s2 =	stileid.u32  }
0x82: {  	s1 =	rddreg [dreg:$0x1];
	p0 =	sne.s32 s2, $0x0  }
0x83: {  	s3 =	rddreg [dreg:$0x2];
	[bflag:$0x3] =	sbarrier.arrive $0xFFFF;
	s2 =	simm.s32 @!p0 $0x1C05  }
0x84: {  	[timem:s3], [sflag:s2] =	dma.local @!p0 [hbm:s0], s1  }
0x85: {  	s0 =	simm.s32 @!p0 $0x5  }
0x86: {  	_ =	swait.ge @!p0 [sflag:s0], s1  }
0x87: {  	s1 =	ssub.s32 @!p0 $0x0, s1;
	[sflag:s0] =	ssyncset.done @!p0 $0x0  }
0x88: {  	[sflag:s0] =	ssyncadd.s32 @!p0 s1  }
0x89: {  	[bflag:$0x3] =	sbarrier.arrive $0xFFFF  }
0x8a: {  	_ =	shalt  }

// kernel: kernel.8.cloned.1.call-start
scs
__scs_entry_jumppad:
0x0: {  	(pc) =	sbr.rel $0x88, $3  }
0x1: {  	(tag) =	ssettag $0x0;
	lr =	simm.s32 $0x1  }
0x2: {  	[smem:$0x3F97] =	sst lr;
	_ =	strace $0xD0000000  }
0x3: {  	_ = 	snop  }
0x4: {  	_ = 	snop  }
0x5: {  	_ = 	snop  }
0x6: {  	_ = 	snop  }
0x7: {  	_ = 	snop  }
__scs_overlays_trampoline_lowered:
0x8: {  	[smem:$0x3FA6] =	sst s0  }
0x9: {  	[smem:$0x3FA7] =	sst s1  }
0xa: {  	[smem:$0x3FA8] =	sst s2  }
0xb: {  	[smem:$0x3FA9] =	sst s3  }
0xc: {  	[smem:$0x3FAA] =	sst s4  }
0xd: {  	[smem:$0x3FAB] =	sst s5  }
0xe: {  	[smem:$0x3FAC] =	sst s6  }
0xf: {  	[smem:$0x3FAD] =	sst s7  }
0x10: {  	[smem:$0x3FAE] =	sst s8  }
0x11: {  	[smem:$0x3FAF] =	sst s9;
	s0 =	simm.s32 @!p0 $0x0  }
0x12: {  	s1 =	sld [smem:$0x3F95];
	s0 =	simm.s32 @p0 $0x1  }
0x13: {  	[smem:$0x3FB0] =	sst s0;
	s0 =	simm.s32 @!p1 $0x0  }
0x14: {  	s2 =	sld [smem:$0x3F94];
	s0 =	simm.s32 @p1 $0x1  }
0x15: {  	[smem:$0x3FB1] =	sst s0;
	s0 =	simm.s32 @!p2 $0x0  }
0x16: {  	s3 =	sld [smem:$0x3FDB];
	s0 =	simm.s32 @p2 $0x1  }
0x17: {  	s4 =	simm.s32 $0x1BF5;
	[smem:$0x3FB3] =	sst s0  }
0x18: {  	s0 =	sld [smem:$0x3F96];
	_ =	swait.ge [sflag:s4], $0x0  }
0x19: {  	s7 =	sld [smem:$0x3F97]  }
0x1a: {  	s8 =	sadd.s32 $0xFFFFE003, lr  }
0x1b: {  	s9 =	sadd.s32 $0xFFFFFEF7, lr;
	s5 =	simm.s32 $0xFFFFFFFF;
	p2 =	slt.u32 s8, $0xFFFFF086  }
0x1c: {  	p1 =	slt.u32 s9, $0xF7A;
	s5 =	simm.s32 @!p2 $0x0  }
0x1d: {  	s5 =	simm.s32 @p1 $0x1;
	p0 =	seq.s32 s7, s2  }
0x1e: {  	s7 =	smul.u32 @!p0 $0xF7A, s2;
	p2 =	seq.s32 @!p0 s5, $0x0  }
0x1f: {  	s9 =	smul.u32 $0xF7A, s1;
	s8 =	simm.s32 @!p0 $0x1BF5;
	p2 =	por !p2, p0  }
0x20: {  	[sflag:s8] =	ssyncset.s32 @!p0 $0xFFFFF086;
	s6 =	sadd.s32 @!p0 s3, s7;
	s7 =	simm.s32 @!p0 $0x108  }
0x21: {  	s3 =	sadd.s32 s3, s9;
	s6 =	sadd.s32 @!p0 $0x88, s6;
	s7 =	simm.s32 @p2 $0x1082  }
0x22: {  	[simem:s7], [sflag:s8] =	dma.local @!p0 [hbm:s6], $0xF7A  }
0x23: {  	s9 =	sor.u32 $0xD0000000, s2;
	s6 =	simm.s32 $0x108;
	_ =	swait.ge @!p0 [sflag:s8], $0x0  }
0x24: {  	s3 =	sadd.s32 $0x88, s3;
	s6 =	simm.s32 @!p1 $0x1082;
	[sflag:s4] =	ssyncset.s32 $0xFFFFF086  }
0x25: {  	[simem:s6], [sflag:s4] =	dma.local [hbm:s3], $0xF7A  }
0x26: {  	[smem:$0x3F97] =	sst s1;
	(tag) =	ssettag s2;
	_ =	strace s9  }
0x27: {  	s1 =	sld [smem:$0x3FA7]  }
0x28: {  	s2 =	sld [smem:$0x3FA8]  }
0x29: {  	s4 =	sld [smem:$0x3FAA]  }
0x2a: {  	p0 =	seq.s32 s5, $0x0;
	s5 =	sld [smem:$0x3FAB]  }
0x2b: {  	s6 =	sld [smem:$0x3FAC]  }
0x2c: {  	s7 =	sld [smem:$0x3FAD]  }
0x2d: {  	s3 =	simm.s32 $0x108;
	s8 =	sld [smem:$0x3FAE]  }
0x2e: {  	s3 =	simm.s32 @!p0 $0x1082;
	s9 =	sld [smem:$0x3FAF]  }
0x2f: {  	lr =	sadd.s32 s0, s3;
	s0 =	sld [smem:$0x3FA6]  }
0x30: {  	s3 =	sld [smem:$0x3FA9]  }
0x31: {  	[smem:$0x3FB2] =	sst s10  }
0x32: {  	s10 =	sld [smem:$0x3FB0];
	_ =	sdelay $0x3  }
0x33: {  	p0 =	seq.s32 s10, $0x1;
	s10 =	sld [smem:$0x3FB2];
	_ =	sdelay $0x3  }
0x34: {  	[smem:$0x3FB2] =	sst s10  }
0x35: {  	s10 =	sld [smem:$0x3FB1];
	_ =	sdelay $0x3  }
0x36: {  	p1 =	seq.s32 s10, $0x1;
	s10 =	sld [smem:$0x3FB2];
	_ =	sdelay $0x3  }
0x37: {  	[smem:$0x3FB2] =	sst s10  }
0x38: {  	s10 =	sld [smem:$0x3FB3]  }
0x39: {  	_ = 	snop;
	(pc) =	sbr.ind lr, $3  }
0x3a: {  	_ = 	snop  }
0x3b: {  	_ = 	snop  }
0x3c: {  	p2 =	seq.s32 s10, $0x1;
	s10 =	sld [smem:$0x3FB2]  }
0x3d: {  	_ =	shalt  }
0x3e: {  	_ =	shalt  }
0x3f: {  	_ =	shalt  }
0x40: {  	_ =	shalt  }
0x41: {  	_ =	shalt  }
0x42: {  	_ =	shalt  }
0x43: {  	_ =	shalt  }
0x44: {  	_ =	shalt  }
0x45: {  	_ =	shalt  }
0x46: {  	_ =	shalt  }
0x47: {  	_ =	shalt  }
0x48: {  	_ =	shalt  }
0x49: {  	_ =	shalt  }
0x4a: {  	_ =	shalt  }
0x4b: {  	_ =	shalt  }
0x4c: {  	_ =	shalt  }
0x4d: {  	_ =	shalt  }
0x4e: {  	_ =	shalt  }
0x4f: {  	_ =	shalt  }
0x50: {  	_ =	shalt  }
0x51: {  	_ =	shalt  }
0x52: {  	_ =	shalt  }
0x53: {  	_ =	shalt  }
0x54: {  	_ =	shalt  }
0x55: {  	_ =	shalt  }
0x56: {  	_ =	shalt  }
0x57: {  	_ =	shalt  }
0x58: {  	_ =	shalt  }
0x59: {  	_ =	shalt  }
0x5a: {  	_ =	shalt  }
0x5b: {  	_ =	shalt  }
0x5c: {  	_ =	shalt  }
0x5d: {  	_ =	shalt  }
0x5e: {  	_ =	shalt  }
0x5f: {  	_ =	shalt  }
0x60: {  	_ =	shalt  }
0x61: {  	_ =	shalt  }
0x62: {  	_ =	shalt  }
0x63: {  	_ =	shalt  }
0x64: {  	_ =	shalt  }
0x65: {  	_ =	shalt  }
0x66: {  	_ =	shalt  }
0x67: {  	_ =	shalt  }
0x68: {  	_ =	shalt  }
0x69: {  	_ =	shalt  }
0x6a: {  	_ =	shalt  }
0x6b: {  	_ =	shalt  }
0x6c: {  	_ =	shalt  }
0x6d: {  	_ =	shalt  }
0x6e: {  	_ =	shalt  }
0x6f: {  	_ =	shalt  }
0x70: {  	_ =	shalt  }
0x71: {  	_ =	shalt  }
0x72: {  	_ =	shalt  }
0x73: {  	_ =	shalt  }
0x74: {  	_ =	shalt  }
0x75: {  	_ =	shalt  }
0x76: {  	_ =	shalt  }
0x77: {  	_ =	shalt  }
0x78: {  	_ =	shalt  }
0x79: {  	_ =	shalt  }
0x7a: {  	_ =	shalt  }
0x7b: {  	_ =	shalt  }
0x7c: {  	_ =	shalt  }
0x7d: {  	_ =	shalt  }
0x7e: {  	_ =	shalt  }
0x7f: {  	_ =	shalt  }
0x80: {  	_ =	shalt  }
0x81: {  	_ =	shalt  }
0x82: {  	_ =	shalt  }
0x83: {  	_ =	shalt  }
0x84: {  	_ =	shalt  }
0x85: {  	_ =	shalt  }
0x86: {  	_ =	shalt  }
0x87: {  	_ =	shalt  }
.Lfunc_end0:
.L_simem_size_0:
called_computation_lowered:
.L_overlay_start_0:
0x88: {  	s2 =	sld [smem:$0x3FD9]  }
0x89: {  	s3 =	sld [smem:$0x3FFE];
	_ =	sdelay $0x1  }
0x8a: {  	s1 =	srdreg.scid  }
0x8b: {  	s0 =	sand.u32 $0x1, s1  }
0x8c: {  	s17 =	sshll.u32 s0, $0xA;
	s2 =	sadd.s32 s3, s2  }
0x8d: {  	s2 =	sadd.s32 s2, s17  }
0x8e: {  	[smem:$0x3FBE] =	sst s2  }
0x8f: {  	_ = 	snop  }
0x90: {  	s2 =	sld [smem:$0x3FD0];
	(tm) =	ssettm $0x1  }
0x91: {  	s18 =	sld [smem:$0x3FFB];
	_ =	sdelay $0x3  }
0x92: {  	_ =	strace s18  }
0x93: {  	s3 =	sld [smem:$0x3FFC];
	_ =	sdelay $0x3  }
0x94: {  	_ =	strace s3  }
0x95: {  	s3 =	sld [smem:$0x3FFD];
	_ =	sdelay $0x3  }
0x96: {  	_ =	strace s3  }
0x97: {  	_ =	strace $0x8FFFFFFF  }
0x98: {  	s19 =	sld [smem:$0x3FDB];
	_ =	sdelay $0x1  }
0x99: {  	s4 =	simm.s32 $_scs_section_size  }
0x9a: {  	s5 =	simm.s32 $_size__tile_overlayer_lowered;
	s6 =	simm.s32 $_tile_overlayer_lowered  }
0x9b: {  	s22 =	simm.s32 $0x1BFF;
	s21 =	sshll.u32 s6, $0x1;
	s3 =	sadd.s32 s4, s19  }
0x9c: {  	s7 =	simm.s32 $0x0;
	s20 =	sshll.u32 s5, $0x1;
	s5 =	sadd.s32 s21, s3  }
0x9d: {  	[timem:s7], [sflag:s22] =	dma.local [hbm:s5], s20  }
0x9e: {  	_ =	swait.ge [sflag:s22], s20  }
0x9f: {  	s4 =	ssub.s32 $0x0, s20;
	[sflag:s22] =	ssyncset.done $0x0  }
0xa0: {  	[sflag:s22] =	ssyncadd.s32 s4;
	_ =	sdelay $0x1  }
0xa1: {  	s23 =	simm.s32 $0x1B8B  }
0xa2: {  	_ =	swait.ge [sflag:s23], $0x1  }
0xa3: {  	[sflag:s23] =	ssyncset.done $0x0  }
0xa4: {  	s25 =	simm.s32 $0x1B8E;
	s24 =	sld [smem:$0x3FFE];
	[sflag:s23] =	ssyncadd.s32 $0xFFFFFFFF  }
0xa5: {  	s26 =	simm.s32 $execute0_lowered;
	[smem:$0x3FD2] =	sst s25  }
0xa6: {  	s5 =	sshll.u32 s26, $0x1;
	_ =	strace $0x80000046;
	[dreg:$0x1] =	wrdreg $0xFFFFFFFF  }
0xa7: {  	s28 =	simm.s32 $_size_execute0_lowered;
	s3 =	sadd.s32 s3, s5;
	[dreg:$0x0] =	wrdreg $0x0  }
0xa8: {  	s5 =	sshll.u32 s28, $0x1;
	[dreg:$0x2] =	wrdreg s3  }
0xa9: {  	[dreg:$0x3] =	wrdreg s5  }
0xaa: {  	[dreg:$0x4] =	wrdreg $0xC0  }
0xab: {  	_ =	task [dreg:s7], $0x5FFFF  }
0xac: {  	[dreg:$0x1] =	wrdreg $0xFFFFFFFF  }
0xad: {  	[dreg:$0x0] =	wrdreg $0x60  }
0xae: {  	[dreg:$0x2] =	wrdreg s24  }
0xaf: {  	[dreg:$0x3] =	wrdreg s2  }
0xb0: {  	[dreg:$0x4] =	wrdreg $0x160000  }
0xb1: {  	[dreg:$0x5] =	wrdreg $0x9  }
0xb2: {  	_ =	task.clear_ibuf [dreg:s7], $0x6FFFF;
	_ =	strace $0x90000046  }
0xb3: {  	s29 =	simm.s32 $0x9;
	_ =	strace $0x80000048  }
0xb4: {  	_ =	swait.ge [sflag:s29], $0x1  }
0xb5: {  	[sflag:s29] =	ssyncadd.s32 $0xFFFFFFFF  }
0xb6: {  	_ =	strace $0x90000048  }
0xb7: {  	_ =	sfence  }
0xb8: {  	s30 =	sld [smem:$0x0];
	_ =	sdelay $0x2  }
0xb9: {  	s31 =	sshll.u32 s1, $0xD;
	s1 =	sshrl.u32 s1, $0x2  }
0xba: {  	s3 =	sand.u32 $0x4000, s31;
	s1 =	sadd.s32 s1, s30  }
0xbb: {  	s0 =	sor.u32 s3, s0;
	s1 =	sshll.u32 s1, $0x11  }
0xbc: {  	s0 =	sor.u32 s1, s0  }
0xbd: {  	s0 =	sadd.s32 $0x8F2B, s0  }
0xbe: {  	[sflag:s0] =	ssyncadd.remote.s32 $0x1  }
0xbf: {  	_ =	sfence.sel $0xFFFF  }
0xc0: {  	[dreg:$0x0] =	wrdreg $0xFFFFFFFF;
	(pc) =	sbr.abs _section_cstart, $3  }
0xc1: {  	[dreg:$0x1] =	wrdreg $0xFFFFFFFF  }
0xc2: {  	_ =	task.clear_ibuf [dreg:s7], $0x2FFFF;
	_ =	strace $0x9FFFFFFF  }
0xc3: {  	(tm) =	ssettm $0x7FFFFFFF  }
tec
execute0_lowered:
.L_overlay_start_1:
0x0: {  	(tag) =	ssettag $0x1  }
0x1: {  	s0 =	srdreg.scid;
	s1 =	rddreg [dreg:$0x0]  }
0x2: {  	s23 =	stileid.u32;
	s13 =	rddreg [dreg:$0x1];
	s3 =	simm.s32 $0x0  }
0x3: {  	s28 =	simm.s32 $0x1;
	s29 =	simm.s32 $0x3;
	s30 =	simm.s32 $0x2  }
0x4: {  	s31 =	simm.s32 $0x4;
	s0 =	sand.u32 $0x1, s0;
	s2 =	sshll.u32 s23, $0x1  }
0x5: {  	[smem:$0x7FF] =	sst s3;
	s24 =	sadd.s32 $0x16600, s1;
	s11 =	smul.u32 $0xFA00, s23  }
0x6: {  	s9 =	sadd.s32 $0x16240, s1;
	s10 =	sadd.s32 $0x169C0, s1;
	p0 =	sgt.u32 s23, $0x9  }
0x7: {  	s22 =	sor.u32 s0, s2;
	s2 =	rddreg [dreg:$0x2];
	_ =	strace $0x80000047  }
0x8: {  	s6 =	ssub.s32 $0x2, s0;
	[dreg:$0x4] =	wrdreg s24;
	s12 =	smul.u32 $0x9C400, s0  }
0x9: {  	s24 =	simm.s32 $0x200;
	s4 =	smul.u32 $0x2800, s22;
	s8 =	sshrl.u32 s6, $0x1  }
0xa: {  	s15 =	sshrl.u32 s11, $0x3;
	p1 =	seq.s32 s22, $0x1F;
	s14 =	ssub.s32 s6, s8  }
0xb: {  	s8 =	sadd.s32 $0xC600, s1;
	s16 =	sadd.s32 s11, s12;
	s12 =	sshll.u32 s0, $0xB  }
0xc: {  	s0 =	sshll.u32 @!p0 s23, $0x6;
	s4 =	sand.u32 $0x7F000, s4;
	s26 =	sshrl.u32 s16, $0x3  }
0xd: {  	s14 =	smax.u32 s14, $0x1;
	s16 =	sor.u32 $0x3000, s12;
	s17 =	sor.u32 $0x400, s12  }
0xe: {  	s18 =	sor.u32 $0x3200, s12;
	s19 =	sor.u32 $0x2600, s12;
	s20 =	sor.u32 $0x5400, s12  }
0xf: {  	s21 =	sor.u32 $0x5600, s12;
	s22 =	sor.u32 @!p0 $0x1C05, s0;
	s5 =	sshrl.u32 s4, $0x3  }
0x10: {  	s4 =	sadd.s32 $0x16E00, s1;
	s13 =	sadd.s32 s13, s26;
	s26 =	simm.s32 $0xE000  }
0x11: {  	s7 =	sadd.s32 s5, s1;
	s1 =	sadd.s32 s11, s2;
	s11 =	sadd.s32 s4, s15  }
0x12: {  	s15 =	sor.u32 $0x200, s12;
	s25 =	sadd.s32 $0x2C00, s7;
	s7 =	sadd.s32 $0xC840, s7  }
0x13: {  	s23 =	sshrl.u32 @!p0 s1, $0x3;
	[dreg:$0x5] =	wrdreg s25;
	s25 =	simm.s32 $0x6000  }
.LBB2_1:
0x14: {  	s0 =	simm.s32 @p1 $0x0;
	s1 =	simm.s32 @p1 $0x5  }
0x15: {  	[tilespmem:s0], [sflag:$0x5] =	stream.linear.gather @p1 [hbm4b:s8+s0], $0x1200, $0x38;
	[tilespmem:$0x1FC60] =	vst v63  }
0x16: {  	_ =	swait.ge @p1 [sflag:s1], $0x1200  }
0x17: {  	[sflag:s1] =	ssyncset.done @p1 $0x0  }
0x18: {  	s5 =	simm.s32 @p1 $0x3000;
	[sflag:s1] =	ssyncadd.s32 @p1 $0xFFFFEE00  }
0x19: {  	[tilespmem:s5], [sflag:$0x5] =	stream.linear.gather @p1 [hbm4b:s9+s0], $0x1200, $0x38;
	[tilespmem:$0x1FC60] =	vst v63  }
0x1a: {  	_ =	swait.ge @p1 [sflag:s1], $0x1200  }
0x1b: {  	[sflag:s1] =	ssyncset.done @p1 $0x0  }
0x1c: {  	s5 =	simm.s32 @p1 $0x1200;
	s6 =	rddreg [dreg:$0x4];
	[sflag:s1] =	ssyncadd.s32 @p1 $0xFFFFEE00  }
0x1d: {  	[tilespmem:s5], [sflag:$0x5] =	stream.linear.gather @p1 [hbm4b:s6+s0], $0x1E00, $0x38;
	[tilespmem:$0x1FC60] =	vst v63  }
0x1e: {  	_ =	swait.ge @p1 [sflag:s1], $0x1E00  }
0x1f: {  	[sflag:s1] =	ssyncset.done @p1 $0x0  }
0x20: {  	s5 =	simm.s32 @p1 $0x4200;
	[sflag:s1] =	ssyncadd.s32 @p1 $0xFFFFE200  }
0x21: {  	[tilespmem:s5], [sflag:$0x5] =	stream.linear.gather @p1 [hbm4b:s10+s0], $0x1E00, $0x38;
	[tilespmem:$0x1FC60] =	vst v63  }
0x22: {  	_ =	swait.ge @p1 [sflag:s1], $0x1E00  }
0x23: {  	[sflag:s1] =	ssyncset.done @p1 $0x0  }
0x24: {  	s0 =	simm.s32 @!p1 $0x0;
	[sflag:s1] =	ssyncadd.s32 @p1 $0xFFFFE200;
	s1 =	rddreg [dreg:$0x5]  }
0x25: {  	[tilespmem:s0], [sflag:$0x5] =	stream.linear.gather @!p1 [hbm4b:s1+s0], $0x3000, $0x38;
	[tilespmem:$0x1FC60] =	vst v63  }
0x26: {  	s1 =	simm.s32 @!p1 $0x5  }
0x27: {  	_ =	swait.ge @!p1 [sflag:s1], $0x3000  }
0x28: {  	[sflag:s1] =	ssyncset.done @!p1 $0x0  }
0x29: {  	s5 =	simm.s32 @!p1 $0x3000;
	[sflag:s1] =	ssyncadd.s32 @!p1 $0xFFFFD000  }
0x2a: {  	[tilespmem:s5], [sflag:$0x5] =	stream.linear.gather @!p1 [hbm4b:s7+s0], $0x3000, $0x38;
	[tilespmem:$0x1FC60] =	vst v63  }
0x2b: {  	_ =	swait.ge @!p1 [sflag:s1], $0x3000  }
0x2c: {  	[sflag:s1] =	ssyncset.done @!p1 $0x0  }
0x2d: {  	s0 =	simm.s32 @!p0 $0x5;
	[sflag:s1] =	ssyncadd.s32 @!p1 $0xFFFFD000  }
0x2e: {  	[spmem:s23], [sflag:s22] =	dma.local @!p0 [hbm:s11], $0x1F40  }
0x2f: {  	_ =	swait.ge @!p0 [sflag:s0], $0x1F40  }
0x30: {  	[sflag:s0] =	ssyncset.done @!p0 $0x0  }
0x31: {  	[sflag:s0] =	ssyncadd.s32 @!p0 $0xFFFFE0C0  }
0x32: {  	[bflag:$0x0] =	sbarrier.arrive $0xFFFF  }
0x33: {  	[tilespmem:s25], [sflag:$0x1] =	stream.indirect.gather [hbm4b:s4+s24], $0x40, s12, s24, $0xb8;
	[tilespmem:$0x1FC60] =	vst v63  }
0x34: {  	_ = 	snop  }
0x35: {  	[tilespmem:s26], [sflag:$0x2] =	stream.indirect.gather [hbm4b:s4+s24], $0x40, s15, s24, $0xb8;
	[tilespmem:$0x1FC60] =	vst v63  }
0x36: {  	_ =	swait.ge [sflag:s28], $0x8000  }
0x37: {  	[sflag:s28] =	ssyncset.done $0x0  }
0x38: {  	[sflag:s28] =	ssyncadd.s32 $0xFFFF8000  }
0x39: {  	[spmem:s2] =	stream.indirect.scatter.add.f32 [tilespmem:s25], [sflag:$0x3], $0x40, s16, s24, $0xb8;
	[tilespmem:$0x1FC60] =	vst v63  }
0x3a: {  	_ =	swait.ge [sflag:s29], $0x8000  }
0x3b: {  	[sflag:s29] =	ssyncset.done $0x0  }
0x3c: {  	[sflag:s29] =	ssyncadd.s32 $0xFFFF8000  }
0x3d: {  	[tilespmem:s25], [sflag:$0x1] =	stream.indirect.gather [hbm4b:s4+s24], $0x40, s17, s24, $0xb8;
	[tilespmem:$0x1FC60] =	vst v63  }
0x3e: {  	_ =	swait.ge [sflag:s30], $0x8000  }
0x3f: {  	[sflag:s30] =	ssyncset.done $0x0  }
0x40: {  	[sflag:s30] =	ssyncadd.s32 $0xFFFF8000  }
0x41: {  	[spmem:s2] =	stream.indirect.scatter.add.f32 [tilespmem:s26], [sflag:$0x4], $0x40, s18, s24, $0xb8;
	[tilespmem:$0x1FC60] =	vst v63  }
0x42: {  	_ =	swait.ge [sflag:s31], $0x8000  }
0x43: {  	s0 =	sadd.s32 $0xFFFFE000, s12;
	[sflag:s31] =	ssyncset.done $0x0  }
0x44: {  	s5 =	sadd.s32 $0x2600, s0;
	[sflag:s31] =	ssyncadd.s32 $0xFFFF8000  }
0x45: {  	[tilespmem:s26], [sflag:$0x2] =	stream.indirect.gather [hbm4b:s4+s24], $0x40, s5, s24, $0xb8;
	[tilespmem:$0x1FC60] =	vst v63  }
0x46: {  	_ =	swait.ge [sflag:s28], $0x8000  }
0x47: {  	s5 =	sadd.s32 $0xFFFFE000, s16;
	[sflag:s28] =	ssyncset.done $0x0  }
0x48: {  	s6 =	sadd.s32 $0x2400, s5;
	[sflag:s28] =	ssyncadd.s32 $0xFFFF8000  }
0x49: {  	[spmem:s2] =	stream.indirect.scatter.add.f32 [tilespmem:s25], [sflag:$0x3], $0x40, s6, s24, $0xb8;
	[tilespmem:$0x1FC60] =	vst v63  }
0x4a: {  	_ =	swait.ge [sflag:s29], $0x8000  }
0x4b: {  	[sflag:s29] =	ssyncset.done $0x0  }
0x4c: {  	s0 =	sadd.s32 $0x2800, s0;
	[sflag:s29] =	ssyncadd.s32 $0xFFFF8000  }
0x4d: {  	[tilespmem:s25], [sflag:$0x1] =	stream.indirect.gather [hbm4b:s4+s24], $0x40, s0, s24, $0xb8;
	[tilespmem:$0x1FC60] =	vst v63  }
0x4e: {  	_ =	swait.ge [sflag:s30], $0x8000  }
0x4f: {  	[sflag:s30] =	ssyncset.done $0x0  }
0x50: {  	s1 =	simm.s32 $0xFFFF9000;
	s0 =	sadd.s32 $0x2600, s5;
	[sflag:s30] =	ssyncadd.s32 $0xFFFF8000  }
.LBB2_2:
0x51: {  	[spmem:s2] =	stream.indirect.scatter.add.f32 [tilespmem:s26], [sflag:$0x4], $0x40, s0, s24, $0xb8;
	[tilespmem:$0x1FC60] =	vst v63  }
0x52: {  	s0 =	sshra.s32 s1, $0x2;
	p2 =	sne.s32 s1, $0xFFFFF000;
	_ =	swait.ge [sflag:s31], $0x8000  }
0x53: {  	s5 =	sadd.s32 s0, s12;
	s0 =	sadd.s32 s0, s16;
	[sflag:s31] =	ssyncset.done $0x0  }
0x54: {  	s1 =	sadd.s32 $0x1000, s1;
	s6 =	sadd.s32 $0x2600, s5;
	[sflag:s31] =	ssyncadd.s32 $0xFFFF8000  }
0x55: {  	[tilespmem:s26], [sflag:$0x2] =	stream.indirect.gather [hbm4b:s4+s24], $0x40, s6, s24, $0xb8;
	[tilespmem:$0x1FC60] =	vst v63  }
0x56: {  	_ =	swait.ge [sflag:s28], $0x8000  }
0x57: {  	[sflag:s28] =	ssyncset.done $0x0  }
0x58: {  	s6 =	sadd.s32 $0x2400, s0;
	[sflag:s28] =	ssyncadd.s32 $0xFFFF8000  }
0x59: {  	[spmem:s2] =	stream.indirect.scatter.add.f32 [tilespmem:s25], [sflag:$0x3], $0x40, s6, s24, $0xb8;
	[tilespmem:$0x1FC60] =	vst v63  }
0x5a: {  	_ =	swait.ge [sflag:s29], $0x8000  }
0x5b: {  	[sflag:s29] =	ssyncset.done $0x0  }
.Ltmp0:
0x5c: {  	s5 =	sadd.s32 $0x2800, s5;
	[sflag:s29] =	ssyncadd.s32 $0xFFFF8000;
	(pc) =	sbr.rel @p2 .LBB2_2-.Ltmp0, $4  }
0x5d: {  	[tilespmem:s25], [sflag:$0x1] =	stream.indirect.gather [hbm4b:s4+s24], $0x40, s5, s24, $0xb8;
	[tilespmem:$0x1FC60] =	vst v63  }
0x5e: {  	_ =	swait.ge [sflag:s30], $0x8000  }
0x5f: {  	[sflag:s30] =	ssyncset.done $0x0  }
0x60: {  	s0 =	sadd.s32 $0x2600, s0;
	[sflag:s30] =	ssyncadd.s32 $0xFFFF8000  }
0x61: {  	[spmem:s2] =	stream.indirect.scatter.add.f32 [tilespmem:s26], [sflag:$0x4], $0x40, s0, s24, $0xb8;
	[tilespmem:$0x1FC60] =	vst v63  }
0x62: {  	_ =	swait.ge [sflag:s31], $0x8000  }
0x63: {  	[sflag:s31] =	ssyncset.done $0x0  }
0x64: {  	[sflag:s31] =	ssyncadd.s32 $0xFFFF8000  }
0x65: {  	[tilespmem:s26], [sflag:$0x2] =	stream.indirect.gather [hbm4b:s4+s24], $0x40, s19, s24, $0xb8;
	[tilespmem:$0x1FC60] =	vst v63  }
0x66: {  	_ =	swait.ge [sflag:s28], $0x8000  }
0x67: {  	[sflag:s28] =	ssyncset.done $0x0  }
0x68: {  	[sflag:s28] =	ssyncadd.s32 $0xFFFF8000  }
0x69: {  	[spmem:s2] =	stream.indirect.scatter.add.f32 [tilespmem:s25], [sflag:$0x3], $0x40, s20, s24, $0xb8;
	[tilespmem:$0x1FC60] =	vst v63  }
0x6a: {  	_ =	swait.ge [sflag:s29], $0x8000  }
0x6b: {  	[sflag:s29] =	ssyncset.done $0x0  }
0x6c: {  	[sflag:s29] =	ssyncadd.s32 $0xFFFF8000  }
0x6d: {  	_ =	swait.ge [sflag:s30], $0x8000  }
0x6e: {  	[sflag:s30] =	ssyncset.done $0x0  }
0x6f: {  	[sflag:s30] =	ssyncadd.s32 $0xFFFF8000  }
0x70: {  	[spmem:s2] =	stream.indirect.scatter.add.f32 [tilespmem:s26], [sflag:$0x4], $0x40, s21, s24, $0xb8;
	[tilespmem:$0x1FC60] =	vst v63  }
0x71: {  	_ =	swait.ge [sflag:s31], $0x8000  }
0x72: {  	s3 =	sadd.s32 $0x1, s3;
	[sflag:s31] =	ssyncset.done $0x0  }
0x73: {  	p2 =	sne.s32 s3, s14;
	[sflag:s31] =	ssyncadd.s32 $0xFFFF8000  }
.Ltmp1:
0x74: {  	s0 =	simm.s32 @!p0 $0x5;
	[bflag:$0x0] =	sbarrier.arrive $0xFFFF;
	(pc) =	sbr.rel @p2 .LBB2_1-.Ltmp1, $4  }
0x75: {  	[hbm:s13], [sflag:s22] =	dma.local @!p0 [spmem:s23], $0x1F40  }
0x76: {  	_ =	swait.ge @!p0 [sflag:s0], $0x1F40  }
0x77: {  	[sflag:s0] =	ssyncset.done @!p0 $0x0  }
0x78: {  	[sflag:s0] =	ssyncadd.s32 @!p0 $0xFFFFE0C0  }
0x79: {  	_ =	sfence.sel $0x180000  }
0x7a: {  	[bflag:$0x0] =	sbarrier.arrive $0xFFFF  }
0x7b: {  	_ =	strace $0x90000047  }
0x7c: {  	s0 =	stileid.u32;
	[bflag:$0x2] =	sbarrier.arrive $0xFFFF  }
0x7d: {  	p0 =	sne.s32 s0, $0x0;
	s0 =	rddreg [dreg:$0x3]  }
0x7e: {  	s0 =	sadd.s32 @!p0 $0x100000, s0  }
0x7f: {  	[sflag:s0] =	ssyncadd.tile.s32 @!p0 $0x1;
	_ =	shalt  }
.Lfunc_end2:
_tile_overlayer_lowered:
.L_overlay_start_2:
0x80: {  	(tag) =	ssettag $0x2  }
0x81: {  	s0 =	rddreg [dreg:$0x0];
	s2 =	stileid.u32  }
0x82: {  	s1 =	rddreg [dreg:$0x1];
	p0 =	sne.s32 s2, $0x0  }
0x83: {  	s3 =	rddreg [dreg:$0x2];
	[bflag:$0x3] =	sbarrier.arrive $0xFFFF;
	s2 =	simm.s32 @!p0 $0x1C05  }
0x84: {  	[timem:s3], [sflag:s2] =	dma.local @!p0 [hbm:s0], s1  }
0x85: {  	s0 =	simm.s32 @!p0 $0x5  }
0x86: {  	_ =	swait.ge @!p0 [sflag:s0], s1  }
0x87: {  	s1 =	ssub.s32 @!p0 $0x0, s1;
	[sflag:s0] =	ssyncset.done @!p0 $0x0  }
0x88: {  	[sflag:s0] =	ssyncadd.s32 @!p0 s1  }
0x89: {  	[bflag:$0x3] =	sbarrier.arrive $0xFFFF  }
0x8a: {  	_ =	shalt  }

</sc_bundles>
